<compile_context>
chip_gen: v7x
topology: tpu7x:2x2x1
jax: 0.10.2.dev20260603
libtpu: 0.0.44.dev20260713+nightly
codegen_flags: <defaults>
</compile_context>

<pallas_src>
import functools

import jax
import jax.numpy as jnp
from jax import lax
from jax.experimental import pallas as pl
from jax.experimental.pallas import tpu as pltpu
from jax.experimental.pallas import tpu_sc as plsc

B = 16384
F = 26
ND = 13
NC = 2
NS = 16
L = 16
NW = NC * NS
BPW = B // NW
CH = 128
NCHUNK = (BPW * F) // CH
KFIRE = 8
VTAB = 1000000

_mesh = plsc.VectorSubcoreMesh(core_axis_name="c", subcore_axis_name="s")


@functools.partial(
    pl.kernel,
    out_type=jax.ShapeDtypeStruct((B,), jnp.float32),
    mesh=_mesh,
    scratch_types=[
        pltpu.VMEM((NCHUNK, CH), jnp.int32),
        pltpu.VMEM((NCHUNK, CH), jnp.float32),
        pltpu.VMEM((ND, BPW), jnp.float32),
        pltpu.VMEM((ND + 2, L), jnp.float32),
        pltpu.VMEM((BPW,), jnp.float32),
        pltpu.SemaphoreType.DMA,
    ],
)
def _lr_kernel(table_hbm, idx_hbm, dense_hbm, w_hbm, out_hbm,
               idx_v, vals_v, dense_v, w_v, acc_v, sem):
    w = lax.axis_index("s") * NC + lax.axis_index("c")

    pltpu.sync_copy(idx_hbm.at[w], idx_v)
    pltpu.sync_copy(dense_hbm.at[w], dense_v)
    pltpu.sync_copy(w_hbm, w_v)

    def fire_group(g, carry):
        for t in range(KFIRE):
            pltpu.async_copy(
                table_hbm.at[idx_v.at[g * KFIRE + t]],
                vals_v.at[g * KFIRE + t],
                sem,
            )
        return carry

    lax.fori_loop(0, NCHUNK // KFIRE, fire_group, 0)

    def drain(j, carry):
        pltpu.make_async_copy(
            table_hbm.at[idx_v.at[j]], vals_v.at[j], sem
        ).wait()
        return carry

    bvec = w_v[ND] + w_v[ND + 1]
    rpc = CH // L
    half = NCHUNK // 2
    fhalf = F // 2

    lax.fori_loop(0, half, drain, 0)

    def row_block_lo(i, carry):
        ro = i // rpc
        c = (i % rpc) * L
        dsl = pl.ds(i * L, L)
        a = bvec
        for d in range(ND):
            a = a + dense_v[d, dsl] * w_v[d]
        for f in range(fhalf):
            a = a + vals_v[f * (BPW // CH) + ro, pl.ds(c, L)]
        acc_v[dsl] = a
        return carry

    lax.fori_loop(0, BPW // L, row_block_lo, 0)

    lax.fori_loop(half, NCHUNK, drain, 0)

    def row_block_hi(i, carry):
        ro = i // rpc
        c = (i % rpc) * L
        dsl = pl.ds(i * L, L)
        a = acc_v[dsl]
        for f in range(fhalf, F):
            a = a + vals_v[f * (BPW // CH) + ro, pl.ds(c, L)]
        acc_v[dsl] = a
        return carry

    lax.fori_loop(0, BPW // L, row_block_hi, 0)

    pltpu.sync_copy(acc_v, out_hbm.at[pl.ds(w * BPW, BPW)])


def kernel(dense, sparse, sparse_table, dense_W, dense_b, bias):
    idx = (
        sparse.astype(jnp.int32)
        .reshape(NW, BPW, F)
        .transpose(0, 2, 1)
        .reshape(NW, NCHUNK, CH)
    )
    dense_prep = dense.reshape(NW, BPW, ND).transpose(0, 2, 1)
    w_prep = jnp.concatenate(
        [
            jnp.broadcast_to(dense_W.reshape(ND, 1), (ND, L)),
            jnp.broadcast_to(dense_b.reshape(1, 1), (1, L)),
            jnp.broadcast_to(bias.reshape(1, 1), (1, L)),
        ],
        axis=0,
    )
    table_flat = sparse_table.reshape(VTAB)
    return _lr_kernel(table_flat, idx, dense_prep, w_prep)

# --- scband reference (transcript-rebuilt; emitter-appended) ---
"""Pipeline reference for scband-lrmodel-16836271800636 (READ-ONLY COPY).

The authoritative reference and input builder live on the scoring server;
editing this copy changes nothing except your own understanding.
"""

import jax, jax.numpy as jnp
import numpy as np

HASH_SIZE = 1000000
NUM_DENSE = 13
BATCH = 16384
N_FIELDS = 26


def setup_inputs(seed: int = 0) -> dict:
    key = jax.random.key(seed)
    k1, k2, k3, k4, k5 = jax.random.split(key, 5)
    dense = jax.random.normal(k1, (BATCH, NUM_DENSE), dtype=jnp.float32)
    sparse = jax.random.randint(k2, (BATCH, N_FIELDS), 0, HASH_SIZE, dtype=jnp.int64)
    # Learned parameters
    sparse_table = jax.random.normal(k3, (HASH_SIZE, 1), dtype=jnp.float32) * 0.01
    dense_W = jax.random.normal(k4, (NUM_DENSE, 1), dtype=jnp.float32) * (1.0 / np.sqrt(NUM_DENSE))
    dense_b = jnp.zeros((1,), dtype=jnp.float32)
    bias = jnp.zeros((1,), dtype=jnp.float32)
    return {
        "dense": dense,
        "sparse": sparse,
        "sparse_table": sparse_table,
        "dense_W": dense_W,
        "dense_b": dense_b,
        "bias": bias,
    }


def reference(dense, sparse, sparse_table, dense_W, dense_b, bias):
    # dense_logit = nn.Linear(num_dense, 1)(dense) -> [B, 1]
    dense_logit = dense @ dense_W + dense_b
    # sparse_logit = nn.Embedding(hash_size, 1)(sparse).sum(dim=1) -> [B, 1]
    emb = jnp.take(sparse_table, sparse, axis=0)  # [B, F, 1]
    sparse_logit = emb.sum(axis=1)  # [B, 1]
    logit = dense_logit + sparse_logit + bias  # [B, 1]
    return jnp.squeeze(logit, axis=1)  # [B]

if __name__ == "__main__":
    import jax
    _d = setup_inputs()
    print(jax.jit(kernel)(*tuple(_d.values())))

</pallas_src>

<mosaic_0001>
#map = affine_map<(d0, d1) -> (0)>
#map1 = affine_map<(d0, d1) -> (0, 0, 0)>
#map2 = affine_map<(d0, d1) -> (0, 0)>
module attributes {stable_mosaic.version = 14 : i64} {
  func.func @_lr_kernel(%arg0: i32, %arg1: i32, %arg2: memref<1000000xf32, #tpu.memory_space<hbm>>, %arg3: memref<32x104x128xi32, #tpu.memory_space<hbm>>, %arg4: memref<32x13x512xf32, #tpu.memory_space<hbm>>, %arg5: memref<15x16xf32, #tpu.memory_space<hbm>>, %arg6: memref<16384xf32, #tpu.memory_space<hbm>>, %arg7: memref<104x128xi32, #tpu.memory_space<vmem>>, %arg8: memref<104x128xf32, #tpu.memory_space<vmem>>, %arg9: memref<13x512xf32, #tpu.memory_space<vmem>>, %arg10: memref<15x16xf32, #tpu.memory_space<vmem>>, %arg11: memref<512xf32, #tpu.memory_space<vmem>>, %arg12: memref<!tpu.dma_semaphore, #tpu.memory_space<semaphore_mem>>) attributes {dimension_semantics = [#tpu.dimension_semantics<core_parallel>, #tpu.dimension_semantics<subcore_parallel>], iteration_bounds = array<i64: 2, 16>, scalar_prefetch = 0 : i64, scratch_operands = 6 : i64, tpu.core_type = #tpu.core_type<sc_vector_subcore>, window_params = [{transform_indices = #map}, {transform_indices = #map1}, {transform_indices = #map1}, {transform_indices = #map2}, {transform_indices = #map}]} {
    %mul3A = arith.constant 2 : i32
    %mul3A_0 = arith.muli %arg1, %mul3A : i32
    %add3A = arith.addi %mul3A_0, %arg0 : i32
    "tpu.region"() ({
      %run_scoped3A = tpu.sem_alloc : memref<!tpu.dma_semaphore, #tpu.memory_space<semaphore_mem>>
      %dma_start3A = arith.constant 0 : i32
      %dma_start3A_42 = arith.constant 0 : i32
      %dma_start3A_43 = tpu.memref_slice %arg3[%add3A, %dma_start3A, %dma_start3A_42] : memref<32x104x128xi32, #tpu.memory_space<hbm>> -> memref<1x104x128xi32, #tpu.memory_space<hbm>>
      %dma_start3A_44 = tpu.memref_squeeze %dma_start3A_43 : memref<1x104x128xi32, #tpu.memory_space<hbm>> -> memref<104x128xi32, #tpu.memory_space<hbm>>
      %dma_start3A_45 = arith.constant 0 : i32
      %dma_start3A_46 = arith.constant 0 : i32
      %dma_start3A_47 = tpu.memref_slice %arg3[%add3A, %dma_start3A_45, %dma_start3A_46] : memref<32x104x128xi32, #tpu.memory_space<hbm>> -> memref<1x104x128xi32, #tpu.memory_space<hbm>>
      %dma_start3A_48 = tpu.memref_squeeze %dma_start3A_47 : memref<1x104x128xi32, #tpu.memory_space<hbm>> -> memref<104x128xi32, #tpu.memory_space<hbm>>
      tpu.enqueue_dma source(%dma_start3A_48 : memref<104x128xi32, #tpu.memory_space<hbm>>) target(%arg7 : memref<104x128xi32, #tpu.memory_space<vmem>>) target_semaphore(%run_scoped3A : memref<!tpu.dma_semaphore, #tpu.memory_space<semaphore_mem>>)
      %dma_wait3A = arith.constant 0 : i32
      %dma_wait3A_49 = arith.constant 0 : i32
      %dma_wait3A_50 = tpu.memref_slice %arg3[%add3A, %dma_wait3A, %dma_wait3A_49] : memref<32x104x128xi32, #tpu.memory_space<hbm>> -> memref<1x104x128xi32, #tpu.memory_space<hbm>>
      %dma_wait3A_51 = tpu.memref_squeeze %dma_wait3A_50 : memref<1x104x128xi32, #tpu.memory_space<hbm>> -> memref<104x128xi32, #tpu.memory_space<hbm>>
      %dma_wait3A_52 = arith.constant 0 : i32
      %dma_wait3A_53 = arith.constant 0 : i32
      %dma_wait3A_54 = tpu.memref_slice %arg3[%add3A, %dma_wait3A_52, %dma_wait3A_53] : memref<32x104x128xi32, #tpu.memory_space<hbm>> -> memref<1x104x128xi32, #tpu.memory_space<hbm>>
      %dma_wait3A_55 = tpu.memref_squeeze %dma_wait3A_54 : memref<1x104x128xi32, #tpu.memory_space<hbm>> -> memref<104x128xi32, #tpu.memory_space<hbm>>
      tpu.wait_dma2 semaphore(%run_scoped3A : memref<!tpu.dma_semaphore, #tpu.memory_space<semaphore_mem>>) src(%dma_wait3A_55 : memref<104x128xi32, #tpu.memory_space<hbm>>) dst(%arg7 : memref<104x128xi32, #tpu.memory_space<vmem>>)
      tpu.yield
    }) : () -> ()
    "tpu.region"() ({
      %run_scoped3A = tpu.sem_alloc : memref<!tpu.dma_semaphore, #tpu.memory_space<semaphore_mem>>
      %dma_start3A = arith.constant 0 : i32
      %dma_start3A_42 = arith.constant 0 : i32
      %dma_start3A_43 = tpu.memref_slice %arg4[%add3A, %dma_start3A, %dma_start3A_42] : memref<32x13x512xf32, #tpu.memory_space<hbm>> -> memref<1x13x512xf32, #tpu.memory_space<hbm>>
      %dma_start3A_44 = tpu.memref_squeeze %dma_start3A_43 : memref<1x13x512xf32, #tpu.memory_space<hbm>> -> memref<13x512xf32, #tpu.memory_space<hbm>>
      %dma_start3A_45 = arith.constant 0 : i32
      %dma_start3A_46 = arith.constant 0 : i32
      %dma_start3A_47 = tpu.memref_slice %arg4[%add3A, %dma_start3A_45, %dma_start3A_46] : memref<32x13x512xf32, #tpu.memory_space<hbm>> -> memref<1x13x512xf32, #tpu.memory_space<hbm>>
      %dma_start3A_48 = tpu.memref_squeeze %dma_start3A_47 : memref<1x13x512xf32, #tpu.memory_space<hbm>> -> memref<13x512xf32, #tpu.memory_space<hbm>>
      tpu.enqueue_dma source(%dma_start3A_48 : memref<13x512xf32, #tpu.memory_space<hbm>>) target(%arg9 : memref<13x512xf32, #tpu.memory_space<vmem>>) target_semaphore(%run_scoped3A : memref<!tpu.dma_semaphore, #tpu.memory_space<semaphore_mem>>)
      %dma_wait3A = arith.constant 0 : i32
      %dma_wait3A_49 = arith.constant 0 : i32
      %dma_wait3A_50 = tpu.memref_slice %arg4[%add3A, %dma_wait3A, %dma_wait3A_49] : memref<32x13x512xf32, #tpu.memory_space<hbm>> -> memref<1x13x512xf32, #tpu.memory_space<hbm>>
      %dma_wait3A_51 = tpu.memref_squeeze %dma_wait3A_50 : memref<1x13x512xf32, #tpu.memory_space<hbm>> -> memref<13x512xf32, #tpu.memory_space<hbm>>
      %dma_wait3A_52 = arith.constant 0 : i32
      %dma_wait3A_53 = arith.constant 0 : i32
      %dma_wait3A_54 = tpu.memref_slice %arg4[%add3A, %dma_wait3A_52, %dma_wait3A_53] : memref<32x13x512xf32, #tpu.memory_space<hbm>> -> memref<1x13x512xf32, #tpu.memory_space<hbm>>
      %dma_wait3A_55 = tpu.memref_squeeze %dma_wait3A_54 : memref<1x13x512xf32, #tpu.memory_space<hbm>> -> memref<13x512xf32, #tpu.memory_space<hbm>>
      tpu.wait_dma2 semaphore(%run_scoped3A : memref<!tpu.dma_semaphore, #tpu.memory_space<semaphore_mem>>) src(%dma_wait3A_55 : memref<13x512xf32, #tpu.memory_space<hbm>>) dst(%arg9 : memref<13x512xf32, #tpu.memory_space<vmem>>)
      tpu.yield
    }) : () -> ()
    "tpu.region"() ({
      %run_scoped3A = tpu.sem_alloc : memref<!tpu.dma_semaphore, #tpu.memory_space<semaphore_mem>>
      tpu.enqueue_dma source(%arg5 : memref<15x16xf32, #tpu.memory_space<hbm>>) target(%arg10 : memref<15x16xf32, #tpu.memory_space<vmem>>) target_semaphore(%run_scoped3A : memref<!tpu.dma_semaphore, #tpu.memory_space<semaphore_mem>>)
      tpu.wait_dma2 semaphore(%run_scoped3A : memref<!tpu.dma_semaphore, #tpu.memory_space<semaphore_mem>>) src(%arg5 : memref<15x16xf32, #tpu.memory_space<hbm>>) dst(%arg10 : memref<15x16xf32, #tpu.memory_space<vmem>>)
      tpu.yield
    }) : () -> ()
    %scan3A = arith.constant 0 : i32
    %scan3A_1 = arith.constant 0 : i32
    %scan3A_2 = arith.constant 13 : i32
    %scan3A_3 = arith.addi %scan3A_1, %scan3A_2 : i32
    %scan3A_4 = arith.constant 1 : i32
    scf.for %scan3A_42 = %scan3A_1 to %scan3A_3 step %scan3A_4  : i32 {
      %mul3A_43 = arith.constant 8 : i32
      %mul3A_44 = arith.muli %scan3A_42, %mul3A_43 : i32
      %add3A_45 = arith.constant 0 : i32
      %add3A_46 = arith.addi %mul3A_44, %add3A_45 : i32
      %mul3A_47 = arith.constant 8 : i32
      %mul3A_48 = arith.muli %scan3A_42, %mul3A_47 : i32
      %add3A_49 = arith.constant 0 : i32
      %add3A_50 = arith.addi %mul3A_48, %add3A_49 : i32
      %dma_start3A = arith.constant 0 : i32
      %dma_start3A_51 = tpu.memref_slice %arg8[%add3A_50, %dma_start3A] : memref<104x128xf32, #tpu.memory_space<vmem>> -> memref<1x128xf32, #tpu.memory_space<vmem>>
      %dma_start3A_52 = tpu.memref_squeeze %dma_start3A_51 : memref<1x128xf32, #tpu.memory_space<vmem>> -> memref<128xf32, #tpu.memory_space<vmem>>
      %dma_start3A_53 = arith.constant 0 : i32
      %dma_start3A_54 = tpu.memref_slice %arg7[%add3A_46, %dma_start3A_53] : memref<104x128xi32, #tpu.memory_space<vmem>> -> memref<1x128xi32, #tpu.memory_space<vmem>>
      %dma_start3A_55 = tpu.memref_squeeze %dma_start3A_54 : memref<1x128xi32, #tpu.memory_space<vmem>> -> memref<128xi32, #tpu.memory_space<vmem>>
      %dma_start3A_56 = arith.constant 0 : i32
      %dma_start3A_57 = tpu.memref_slice %arg2[%dma_start3A_56] : memref<1000000xf32, #tpu.memory_space<hbm>> -> memref<1000000xf32, #tpu.memory_space<hbm>>
      tpu.enqueue_indirect_dma source(%dma_start3A_57 : memref<1000000xf32, #tpu.memory_space<hbm>>) target(%dma_start3A_52 : memref<128xf32, #tpu.memory_space<vmem>>) offsets(%dma_start3A_55 : memref<128xi32, #tpu.memory_space<vmem>>) semaphore(%arg12 : memref<!tpu.dma_semaphore, #tpu.memory_space<semaphore_mem>>)
      %mul3A_58 = arith.constant 8 : i32
      %mul3A_59 = arith.muli %scan3A_42, %mul3A_58 : i32
      %add3A_60 = arith.constant 1 : i32
      %add3A_61 = arith.addi %mul3A_59, %add3A_60 : i32
      %mul3A_62 = arith.constant 8 : i32
      %mul3A_63 = arith.muli %scan3A_42, %mul3A_62 : i32
      %add3A_64 = arith.constant 1 : i32
      %add3A_65 = arith.addi %mul3A_63, %add3A_64 : i32
      %dma_start3A_66 = arith.constant 0 : i32
      %dma_start3A_67 = tpu.memref_slice %arg8[%add3A_65, %dma_start3A_66] : memref<104x128xf32, #tpu.memory_space<vmem>> -> memref<1x128xf32, #tpu.memory_space<vmem>>
      %dma_start3A_68 = tpu.memref_squeeze %dma_start3A_67 : memref<1x128xf32, #tpu.memory_space<vmem>> -> memref<128xf32, #tpu.memory_space<vmem>>
      %dma_start3A_69 = arith.constant 0 : i32
      %dma_start3A_70 = tpu.memref_slice %arg7[%add3A_61, %dma_start3A_69] : memref<104x128xi32, #tpu.memory_space<vmem>> -> memref<1x128xi32, #tpu.memory_space<vmem>>
      %dma_start3A_71 = tpu.memref_squeeze %dma_start3A_70 : memref<1x128xi32, #tpu.memory_space<vmem>> -> memref<128xi32, #tpu.memory_space<vmem>>
      %dma_start3A_72 = arith.constant 0 : i32
      %dma_start3A_73 = tpu.memref_slice %arg2[%dma_start3A_72] : memref<1000000xf32, #tpu.memory_space<hbm>> -> memref<1000000xf32, #tpu.memory_space<hbm>>
      tpu.enqueue_indirect_dma source(%dma_start3A_73 : memref<1000000xf32, #tpu.memory_space<hbm>>) target(%dma_start3A_68 : memref<128xf32, #tpu.memory_space<vmem>>) offsets(%dma_start3A_71 : memref<128xi32, #tpu.memory_space<vmem>>) semaphore(%arg12 : memref<!tpu.dma_semaphore, #tpu.memory_space<semaphore_mem>>)
      %mul3A_74 = arith.constant 8 : i32
      %mul3A_75 = arith.muli %scan3A_42, %mul3A_74 : i32
      %add3A_76 = arith.constant 2 : i32
      %add3A_77 = arith.addi %mul3A_75, %add3A_76 : i32
      %mul3A_78 = arith.constant 8 : i32
      %mul3A_79 = arith.muli %scan3A_42, %mul3A_78 : i32
      %add3A_80 = arith.constant 2 : i32
      %add3A_81 = arith.addi %mul3A_79, %add3A_80 : i32
      %dma_start3A_82 = arith.constant 0 : i32
      %dma_start3A_83 = tpu.memref_slice %arg8[%add3A_81, %dma_start3A_82] : memref<104x128xf32, #tpu.memory_space<vmem>> -> memref<1x128xf32, #tpu.memory_space<vmem>>
      %dma_start3A_84 = tpu.memref_squeeze %dma_start3A_83 : memref<1x128xf32, #tpu.memory_space<vmem>> -> memref<128xf32, #tpu.memory_space<vmem>>
      %dma_start3A_85 = arith.constant 0 : i32
      %dma_start3A_86 = tpu.memref_slice %arg7[%add3A_77, %dma_start3A_85] : memref<104x128xi32, #tpu.memory_space<vmem>> -> memref<1x128xi32, #tpu.memory_space<vmem>>
      %dma_start3A_87 = tpu.memref_squeeze %dma_start3A_86 : memref<1x128xi32, #tpu.memory_space<vmem>> -> memref<128xi32, #tpu.memory_space<vmem>>
      %dma_start3A_88 = arith.constant 0 : i32
      %dma_start3A_89 = tpu.memref_slice %arg2[%dma_start3A_88] : memref<1000000xf32, #tpu.memory_space<hbm>> -> memref<1000000xf32, #tpu.memory_space<hbm>>
      tpu.enqueue_indirect_dma source(%dma_start3A_89 : memref<1000000xf32, #tpu.memory_space<hbm>>) target(%dma_start3A_84 : memref<128xf32, #tpu.memory_space<vmem>>) offsets(%dma_start3A_87 : memref<128xi32, #tpu.memory_space<vmem>>) semaphore(%arg12 : memref<!tpu.dma_semaphore, #tpu.memory_space<semaphore_mem>>)
      %mul3A_90 = arith.constant 8 : i32
      %mul3A_91 = arith.muli %scan3A_42, %mul3A_90 : i32
      %add3A_92 = arith.constant 3 : i32
      %add3A_93 = arith.addi %mul3A_91, %add3A_92 : i32
      %mul3A_94 = arith.constant 8 : i32
      %mul3A_95 = arith.muli %scan3A_42, %mul3A_94 : i32
      %add3A_96 = arith.constant 3 : i32
      %add3A_97 = arith.addi %mul3A_95, %add3A_96 : i32
      %dma_start3A_98 = arith.constant 0 : i32
      %dma_start3A_99 = tpu.memref_slice %arg8[%add3A_97, %dma_start3A_98] : memref<104x128xf32, #tpu.memory_space<vmem>> -> memref<1x128xf32, #tpu.memory_space<vmem>>
      %dma_start3A_100 = tpu.memref_squeeze %dma_start3A_99 : memref<1x128xf32, #tpu.memory_space<vmem>> -> memref<128xf32, #tpu.memory_space<vmem>>
      %dma_start3A_101 = arith.constant 0 : i32
      %dma_start3A_102 = tpu.memref_slice %arg7[%add3A_93, %dma_start3A_101] : memref<104x128xi32, #tpu.memory_space<vmem>> -> memref<1x128xi32, #tpu.memory_space<vmem>>
      %dma_start3A_103 = tpu.memref_squeeze %dma_start3A_102 : memref<1x128xi32, #tpu.memory_space<vmem>> -> memref<128xi32, #tpu.memory_space<vmem>>
      %dma_start3A_104 = arith.constant 0 : i32
      %dma_start3A_105 = tpu.memref_slice %arg2[%dma_start3A_104] : memref<1000000xf32, #tpu.memory_space<hbm>> -> memref<1000000xf32, #tpu.memory_space<hbm>>
      tpu.enqueue_indirect_dma source(%dma_start3A_105 : memref<1000000xf32, #tpu.memory_space<hbm>>) target(%dma_start3A_100 : memref<128xf32, #tpu.memory_space<vmem>>) offsets(%dma_start3A_103 : memref<128xi32, #tpu.memory_space<vmem>>) semaphore(%arg12 : memref<!tpu.dma_semaphore, #tpu.memory_space<semaphore_mem>>)
      %mul3A_106 = arith.constant 8 : i32
      %mul3A_107 = arith.muli %scan3A_42, %mul3A_106 : i32
      %add3A_108 = arith.constant 4 : i32
      %add3A_109 = arith.addi %mul3A_107, %add3A_108 : i32
      %mul3A_110 = arith.constant 8 : i32
      %mul3A_111 = arith.muli %scan3A_42, %mul3A_110 : i32
      %add3A_112 = arith.constant 4 : i32
      %add3A_113 = arith.addi %mul3A_111, %add3A_112 : i32
      %dma_start3A_114 = arith.constant 0 : i32
      %dma_start3A_115 = tpu.memref_slice %arg8[%add3A_113, %dma_start3A_114] : memref<104x128xf32, #tpu.memory_space<vmem>> -> memref<1x128xf32, #tpu.memory_space<vmem>>
      %dma_start3A_116 = tpu.memref_squeeze %dma_start3A_115 : memref<1x128xf32, #tpu.memory_space<vmem>> -> memref<128xf32, #tpu.memory_space<vmem>>
      %dma_start3A_117 = arith.constant 0 : i32
      %dma_start3A_118 = tpu.memref_slice %arg7[%add3A_109, %dma_start3A_117] : memref<104x128xi32, #tpu.memory_space<vmem>> -> memref<1x128xi32, #tpu.memory_space<vmem>>
      %dma_start3A_119 = tpu.memref_squeeze %dma_start3A_118 : memref<1x128xi32, #tpu.memory_space<vmem>> -> memref<128xi32, #tpu.memory_space<vmem>>
      %dma_start3A_120 = arith.constant 0 : i32
      %dma_start3A_121 = tpu.memref_slice %arg2[%dma_start3A_120] : memref<1000000xf32, #tpu.memory_space<hbm>> -> memref<1000000xf32, #tpu.memory_space<hbm>>
      tpu.enqueue_indirect_dma source(%dma_start3A_121 : memref<1000000xf32, #tpu.memory_space<hbm>>) target(%dma_start3A_116 : memref<128xf32, #tpu.memory_space<vmem>>) offsets(%dma_start3A_119 : memref<128xi32, #tpu.memory_space<vmem>>) semaphore(%arg12 : memref<!tpu.dma_semaphore, #tpu.memory_space<semaphore_mem>>)
      %mul3A_122 = arith.constant 8 : i32
      %mul3A_123 = arith.muli %scan3A_42, %mul3A_122 : i32
      %add3A_124 = arith.constant 5 : i32
      %add3A_125 = arith.addi %mul3A_123, %add3A_124 : i32
      %mul3A_126 = arith.constant 8 : i32
      %mul3A_127 = arith.muli %scan3A_42, %mul3A_126 : i32
      %add3A_128 = arith.constant 5 : i32
      %add3A_129 = arith.addi %mul3A_127, %add3A_128 : i32
      %dma_start3A_130 = arith.constant 0 : i32
      %dma_start3A_131 = tpu.memref_slice %arg8[%add3A_129, %dma_start3A_130] : memref<104x128xf32, #tpu.memory_space<vmem>> -> memref<1x128xf32, #tpu.memory_space<vmem>>
      %dma_start3A_132 = tpu.memref_squeeze %dma_start3A_131 : memref<1x128xf32, #tpu.memory_space<vmem>> -> memref<128xf32, #tpu.memory_space<vmem>>
      %dma_start3A_133 = arith.constant 0 : i32
      %dma_start3A_134 = tpu.memref_slice %arg7[%add3A_125, %dma_start3A_133] : memref<104x128xi32, #tpu.memory_space<vmem>> -> memref<1x128xi32, #tpu.memory_space<vmem>>
      %dma_start3A_135 = tpu.memref_squeeze %dma_start3A_134 : memref<1x128xi32, #tpu.memory_space<vmem>> -> memref<128xi32, #tpu.memory_space<vmem>>
      %dma_start3A_136 = arith.constant 0 : i32
      %dma_start3A_137 = tpu.memref_slice %arg2[%dma_start3A_136] : memref<1000000xf32, #tpu.memory_space<hbm>> -> memref<1000000xf32, #tpu.memory_space<hbm>>
      tpu.enqueue_indirect_dma source(%dma_start3A_137 : memref<1000000xf32, #tpu.memory_space<hbm>>) target(%dma_start3A_132 : memref<128xf32, #tpu.memory_space<vmem>>) offsets(%dma_start3A_135 : memref<128xi32, #tpu.memory_space<vmem>>) semaphore(%arg12 : memref<!tpu.dma_semaphore, #tpu.memory_space<semaphore_mem>>)
      %mul3A_138 = arith.constant 8 : i32
      %mul3A_139 = arith.muli %scan3A_42, %mul3A_138 : i32
      %add3A_140 = arith.constant 6 : i32
      %add3A_141 = arith.addi %mul3A_139, %add3A_140 : i32
      %mul3A_142 = arith.constant 8 : i32
      %mul3A_143 = arith.muli %scan3A_42, %mul3A_142 : i32
      %add3A_144 = arith.constant 6 : i32
      %add3A_145 = arith.addi %mul3A_143, %add3A_144 : i32
      %dma_start3A_146 = arith.constant 0 : i32
      %dma_start3A_147 = tpu.memref_slice %arg8[%add3A_145, %dma_start3A_146] : memref<104x128xf32, #tpu.memory_space<vmem>> -> memref<1x128xf32, #tpu.memory_space<vmem>>
      %dma_start3A_148 = tpu.memref_squeeze %dma_start3A_147 : memref<1x128xf32, #tpu.memory_space<vmem>> -> memref<128xf32, #tpu.memory_space<vmem>>
      %dma_start3A_149 = arith.constant 0 : i32
      %dma_start3A_150 = tpu.memref_slice %arg7[%add3A_141, %dma_start3A_149] : memref<104x128xi32, #tpu.memory_space<vmem>> -> memref<1x128xi32, #tpu.memory_space<vmem>>
      %dma_start3A_151 = tpu.memref_squeeze %dma_start3A_150 : memref<1x128xi32, #tpu.memory_space<vmem>> -> memref<128xi32, #tpu.memory_space<vmem>>
      %dma_start3A_152 = arith.constant 0 : i32
      %dma_start3A_153 = tpu.memref_slice %arg2[%dma_start3A_152] : memref<1000000xf32, #tpu.memory_space<hbm>> -> memref<1000000xf32, #tpu.memory_space<hbm>>
      tpu.enqueue_indirect_dma source(%dma_start3A_153 : memref<1000000xf32, #tpu.memory_space<hbm>>) target(%dma_start3A_148 : memref<128xf32, #tpu.memory_space<vmem>>) offsets(%dma_start3A_151 : memref<128xi32, #tpu.memory_space<vmem>>) semaphore(%arg12 : memref<!tpu.dma_semaphore, #tpu.memory_space<semaphore_mem>>)
      %mul3A_154 = arith.constant 8 : i32
      %mul3A_155 = arith.muli %scan3A_42, %mul3A_154 : i32
      %add3A_156 = arith.constant 7 : i32
      %add3A_157 = arith.addi %mul3A_155, %add3A_156 : i32
      %mul3A_158 = arith.constant 8 : i32
      %mul3A_159 = arith.muli %scan3A_42, %mul3A_158 : i32
      %add3A_160 = arith.constant 7 : i32
      %add3A_161 = arith.addi %mul3A_159, %add3A_160 : i32
      %dma_start3A_162 = arith.constant 0 : i32
      %dma_start3A_163 = tpu.memref_slice %arg8[%add3A_161, %dma_start3A_162] : memref<104x128xf32, #tpu.memory_space<vmem>> -> memref<1x128xf32, #tpu.memory_space<vmem>>
      %dma_start3A_164 = tpu.memref_squeeze %dma_start3A_163 : memref<1x128xf32, #tpu.memory_space<vmem>> -> memref<128xf32, #tpu.memory_space<vmem>>
      %dma_start3A_165 = arith.constant 0 : i32
      %dma_start3A_166 = tpu.memref_slice %arg7[%add3A_157, %dma_start3A_165] : memref<104x128xi32, #tpu.memory_space<vmem>> -> memref<1x128xi32, #tpu.memory_space<vmem>>
      %dma_start3A_167 = tpu.memref_squeeze %dma_start3A_166 : memref<1x128xi32, #tpu.memory_space<vmem>> -> memref<128xi32, #tpu.memory_space<vmem>>
      %dma_start3A_168 = arith.constant 0 : i32
      %dma_start3A_169 = tpu.memref_slice %arg2[%dma_start3A_168] : memref<1000000xf32, #tpu.memory_space<hbm>> -> memref<1000000xf32, #tpu.memory_space<hbm>>
      tpu.enqueue_indirect_dma source(%dma_start3A_169 : memref<1000000xf32, #tpu.memory_space<hbm>>) target(%dma_start3A_164 : memref<128xf32, #tpu.memory_space<vmem>>) offsets(%dma_start3A_167 : memref<128xi32, #tpu.memory_space<vmem>>) semaphore(%arg12 : memref<!tpu.dma_semaphore, #tpu.memory_space<semaphore_mem>>)
    }
    %scan3A_5 = arith.constant 13 : i32
    %get3A = arith.constant 13 : i32
    %get3A_6 = arith.index_cast %get3A : i32 to index
    %get3A_7 = arith.constant 0 : index
    %get3A_8 = tpu.vector_load %arg10[%get3A_6, %get3A_7] {strides = array<i32>} : memref<15x16xf32, #tpu.memory_space<vmem>>, vector<1x16xf32>,
    %get3A_9 = vector.shape_cast %get3A_8 : vector<1x16xf32> to vector<16xf32>
    %get3A_10 = arith.constant 14 : i32
    %get3A_11 = arith.index_cast %get3A_10 : i32 to index
    %get3A_12 = arith.constant 0 : index
    %get3A_13 = tpu.vector_load %arg10[%get3A_11, %get3A_12] {strides = array<i32>} : memref<15x16xf32, #tpu.memory_space<vmem>>, vector<1x16xf32>,
    %get3A_14 = vector.shape_cast %get3A_13 : vector<1x16xf32> to vector<16xf32>
    %add3A_15 = arith.addf %get3A_9, %get3A_14 : vector<16xf32>
    %scan3A_16 = arith.constant 0 : i32
    %scan3A_17 = arith.constant 0 : i32
    %scan3A_18 = arith.constant 52 : i32
    %scan3A_19 = arith.addi %scan3A_17, %scan3A_18 : i32
    %scan3A_20 = arith.constant 1 : i32
    scf.for %scan3A_42 = %scan3A_17 to %scan3A_19 step %scan3A_20  : i32 {
      %dma_wait3A = arith.constant 0 : i32
      %dma_wait3A_43 = tpu.memref_slice %arg8[%scan3A_42, %dma_wait3A] : memref<104x128xf32, #tpu.memory_space<vmem>> -> memref<1x128xf32, #tpu.memory_space<vmem>>
      %dma_wait3A_44 = tpu.memref_squeeze %dma_wait3A_43 : memref<1x128xf32, #tpu.memory_space<vmem>> -> memref<128xf32, #tpu.memory_space<vmem>>
      %dma_wait3A_45 = arith.constant 0 : i32
      %dma_wait3A_46 = tpu.memref_slice %arg7[%scan3A_42, %dma_wait3A_45] : memref<104x128xi32, #tpu.memory_space<vmem>> -> memref<1x128xi32, #tpu.memory_space<vmem>>
      %dma_wait3A_47 = tpu.memref_squeeze %dma_wait3A_46 : memref<1x128xi32, #tpu.memory_space<vmem>> -> memref<128xi32, #tpu.memory_space<vmem>>
      %dma_wait3A_48 = arith.constant 0 : i32
      %dma_wait3A_49 = tpu.memref_slice %arg2[%dma_wait3A_48] : memref<1000000xf32, #tpu.memory_space<hbm>> -> memref<1000000xf32, #tpu.memory_space<hbm>>
      tpu.wait_indirect_dma semaphore(%arg12 : memref<!tpu.dma_semaphore, #tpu.memory_space<semaphore_mem>>) src(%dma_wait3A_49 : memref<1000000xf32, #tpu.memory_space<hbm>>) dst(%dma_wait3A_44 : memref<128xf32, #tpu.memory_space<vmem>>)
    }
    %scan3A_21 = arith.constant 52 : i32
    %scan3A_22 = arith.constant 0 : i32
    %scan3A_23 = arith.constant 0 : i32
    %scan3A_24 = arith.constant 32 : i32
    %scan3A_25 = arith.addi %scan3A_23, %scan3A_24 : i32
    %scan3A_26 = arith.constant 1 : i32
    scf.for %scan3A_42 = %scan3A_23 to %scan3A_25 step %scan3A_26  : i32 {
      %jit3A = arith.constant 8 : i32
      %div3A = arith.divsi %scan3A_42, %jit3A : i32
      %sign3A = arith.constant 0 : i32
      %sign3A_43 = arith.cmpi sgt, %scan3A_42, %sign3A : i32
      %sign3A_44 = arith.extui %sign3A_43 : i1 to i32
      %sign3A_45 = arith.constant 0 : i32
      %sign3A_46 = arith.cmpi slt, %scan3A_42, %sign3A_45 : i32
      %sign3A_47 = arith.extui %sign3A_46 : i1 to i32
      %sign3A_48 = arith.subi %sign3A_44, %sign3A_47 : i32
      %sign3A_49 = arith.constant 0 : i32
      %sign3A_50 = arith.cmpi sgt, %jit3A, %sign3A_49 : i32
      %sign3A_51 = arith.extui %sign3A_50 : i1 to i32
      %sign3A_52 = arith.constant 0 : i32
      %sign3A_53 = arith.cmpi slt, %jit3A, %sign3A_52 : i32
      %sign3A_54 = arith.extui %sign3A_53 : i1 to i32
      %sign3A_55 = arith.subi %sign3A_51, %sign3A_54 : i32
      %ne3A = arith.cmpi ne, %sign3A_48, %sign3A_55 : i32
      %rem3A = arith.remsi %scan3A_42, %jit3A : i32
      %ne3A_56 = arith.constant 0 : i32
      %ne3A_57 = arith.cmpi ne, %rem3A, %ne3A_56 : i32
      %and3A = arith.andi %ne3A, %ne3A_57 : i1
      %sub3A = arith.constant 1 : i32
      %sub3A_58 = arith.subi %div3A, %sub3A : i32
      %select_n3A = arith.select %and3A, %sub3A_58, %div3A : i32
      %jit3A_59 = arith.constant 8 : i32
      %eq3A = arith.constant 0 : i32
      %eq3A_60 = arith.cmpi eq, %jit3A_59, %eq3A : i32
      %jit3A_61 = arith.constant 1 : i32
      %select_n3A_62 = arith.select %eq3A_60, %jit3A_61, %jit3A_59 : i32
      %rem3A_63 = arith.remsi %scan3A_42, %select_n3A_62 : i32
      %ne3A_64 = arith.constant 0 : i32
      %ne3A_65 = arith.cmpi ne, %rem3A_63, %ne3A_64 : i32
      %lt3A = arith.constant 0 : i32
      %lt3A_66 = arith.cmpi slt, %rem3A_63, %lt3A : i32
      %lt3A_67 = arith.constant 0 : i32
      %lt3A_68 = arith.cmpi slt, %select_n3A_62, %lt3A_67 : i32
      %ne3A_69 = arith.xori %lt3A_66, %lt3A_68 : i1
      %and3A_70 = arith.andi %ne3A_69, %ne3A_65 : i1
      %add3A_71 = arith.addi %rem3A_63, %select_n3A_62 : i32
      %select_n3A_72 = arith.select %and3A_70, %add3A_71, %rem3A_63 : i32
      %mul3A_73 = arith.constant 16 : i32
      %mul3A_74 = arith.muli %select_n3A_72, %mul3A_73 : i32
      %mul3A_75 = arith.constant 16 : i32
      %mul3A_76 = arith.muli %scan3A_42, %mul3A_75 : i32
      %get3A_77 = arith.constant 0 : i32
      %get3A_78 = arith.index_cast %get3A_77 : i32 to index
      %get3A_79 = arith.index_cast %mul3A_76 : i32 to index
      %get3A_80 = tpu.vector_load %arg9[%get3A_78, %get3A_79] {strides = array<i32>} : memref<13x512xf32, #tpu.memory_space<vmem>>, vector<1x16xf32>,
      %get3A_81 = vector.shape_cast %get3A_80 : vector<1x16xf32> to vector<16xf32>
      %get3A_82 = arith.constant 0 : i32
      %get3A_83 = arith.index_cast %get3A_82 : i32 to index
      %get3A_84 = arith.constant 0 : index
      %get3A_85 = tpu.vector_load %arg10[%get3A_83, %get3A_84] {strides = array<i32>} : memref<15x16xf32, #tpu.memory_space<vmem>>, vector<1x16xf32>,
      %get3A_86 = vector.shape_cast %get3A_85 : vector<1x16xf32> to vector<16xf32>
      %mul3A_87 = arith.mulf %get3A_81, %get3A_86 : vector<16xf32>
      %add3A_88 = arith.addf %add3A_15, %mul3A_87 : vector<16xf32>
      %get3A_89 = arith.constant 1 : i32
      %get3A_90 = arith.index_cast %get3A_89 : i32 to index
      %get3A_91 = arith.index_cast %mul3A_76 : i32 to index
      %get3A_92 = tpu.vector_load %arg9[%get3A_90, %get3A_91] {strides = array<i32>} : memref<13x512xf32, #tpu.memory_space<vmem>>, vector<1x16xf32>,
      %get3A_93 = vector.shape_cast %get3A_92 : vector<1x16xf32> to vector<16xf32>
      %get3A_94 = arith.constant 1 : i32
      %get3A_95 = arith.index_cast %get3A_94 : i32 to index
      %get3A_96 = arith.constant 0 : index
      %get3A_97 = tpu.vector_load %arg10[%get3A_95, %get3A_96] {strides = array<i32>} : memref<15x16xf32, #tpu.memory_space<vmem>>, vector<1x16xf32>,
      %get3A_98 = vector.shape_cast %get3A_97 : vector<1x16xf32> to vector<16xf32>
      %mul3A_99 = arith.mulf %get3A_93, %get3A_98 : vector<16xf32>
      %add3A_100 = arith.addf %add3A_88, %mul3A_99 : vector<16xf32>
      %get3A_101 = arith.constant 2 : i32
      %get3A_102 = arith.index_cast %get3A_101 : i32 to index
      %get3A_103 = arith.index_cast %mul3A_76 : i32 to index
      %get3A_104 = tpu.vector_load %arg9[%get3A_102, %get3A_103] {strides = array<i32>} : memref<13x512xf32, #tpu.memory_space<vmem>>, vector<1x16xf32>,
      %get3A_105 = vector.shape_cast %get3A_104 : vector<1x16xf32> to vector<16xf32>
      %get3A_106 = arith.constant 2 : i32
      %get3A_107 = arith.index_cast %get3A_106 : i32 to index
      %get3A_108 = arith.constant 0 : index
      %get3A_109 = tpu.vector_load %arg10[%get3A_107, %get3A_108] {strides = array<i32>} : memref<15x16xf32, #tpu.memory_space<vmem>>, vector<1x16xf32>,
      %get3A_110 = vector.shape_cast %get3A_109 : vector<1x16xf32> to vector<16xf32>
      %mul3A_111 = arith.mulf %get3A_105, %get3A_110 : vector<16xf32>
      %add3A_112 = arith.addf %add3A_100, %mul3A_111 : vector<16xf32>
      %get3A_113 = arith.constant 3 : i32
      %get3A_114 = arith.index_cast %get3A_113 : i32 to index
      %get3A_115 = arith.index_cast %mul3A_76 : i32 to index
      %get3A_116 = tpu.vector_load %arg9[%get3A_114, %get3A_115] {strides = array<i32>} : memref<13x512xf32, #tpu.memory_space<vmem>>, vector<1x16xf32>,
      %get3A_117 = vector.shape_cast %get3A_116 : vector<1x16xf32> to vector<16xf32>
      %get3A_118 = arith.constant 3 : i32
      %get3A_119 = arith.index_cast %get3A_118 : i32 to index
      %get3A_120 = arith.constant 0 : index
      %get3A_121 = tpu.vector_load %arg10[%get3A_119, %get3A_120] {strides = array<i32>} : memref<15x16xf32, #tpu.memory_space<vmem>>, vector<1x16xf32>,
      %get3A_122 = vector.shape_cast %get3A_121 : vector<1x16xf32> to vector<16xf32>
      %mul3A_123 = arith.mulf %get3A_117, %get3A_122 : vector<16xf32>
      %add3A_124 = arith.addf %add3A_112, %mul3A_123 : vector<16xf32>
      %get3A_125 = arith.constant 4 : i32
      %get3A_126 = arith.index_cast %get3A_125 : i32 to index
      %get3A_127 = arith.index_cast %mul3A_76 : i32 to index
      %get3A_128 = tpu.vector_load %arg9[%get3A_126, %get3A_127] {strides = array<i32>} : memref<13x512xf32, #tpu.memory_space<vmem>>, vector<1x16xf32>,
      %get3A_129 = vector.shape_cast %get3A_128 : vector<1x16xf32> to vector<16xf32>
      %get3A_130 = arith.constant 4 : i32
      %get3A_131 = arith.index_cast %get3A_130 : i32 to index
      %get3A_132 = arith.constant 0 : index
      %get3A_133 = tpu.vector_load %arg10[%get3A_131, %get3A_132] {strides = array<i32>} : memref<15x16xf32, #tpu.memory_space<vmem>>, vector<1x16xf32>,
      %get3A_134 = vector.shape_cast %get3A_133 : vector<1x16xf32> to vector<16xf32>
      %mul3A_135 = arith.mulf %get3A_129, %get3A_134 : vector<16xf32>
      %add3A_136 = arith.addf %add3A_124, %mul3A_135 : vector<16xf32>
      %get3A_137 = arith.constant 5 : i32
      %get3A_138 = arith.index_cast %get3A_137 : i32 to index
      %get3A_139 = arith.index_cast %mul3A_76 : i32 to index
      %get3A_140 = tpu.vector_load %arg9[%get3A_138, %get3A_139] {strides = array<i32>} : memref<13x512xf32, #tpu.memory_space<vmem>>, vector<1x16xf32>,
      %get3A_141 = vector.shape_cast %get3A_140 : vector<1x16xf32> to vector<16xf32>
      %get3A_142 = arith.constant 5 : i32
      %get3A_143 = arith.index_cast %get3A_142 : i32 to index
      %get3A_144 = arith.constant 0 : index
      %get3A_145 = tpu.vector_load %arg10[%get3A_143, %get3A_144] {strides = array<i32>} : memref<15x16xf32, #tpu.memory_space<vmem>>, vector<1x16xf32>,
      %get3A_146 = vector.shape_cast %get3A_145 : vector<1x16xf32> to vector<16xf32>
      %mul3A_147 = arith.mulf %get3A_141, %get3A_146 : vector<16xf32>
      %add3A_148 = arith.addf %add3A_136, %mul3A_147 : vector<16xf32>
      %get3A_149 = arith.constant 6 : i32
      %get3A_150 = arith.index_cast %get3A_149 : i32 to index
      %get3A_151 = arith.index_cast %mul3A_76 : i32 to index
      %get3A_152 = tpu.vector_load %arg9[%get3A_150, %get3A_151] {strides = array<i32>} : memref<13x512xf32, #tpu.memory_space<vmem>>, vector<1x16xf32>,
      %get3A_153 = vector.shape_cast %get3A_152 : vector<1x16xf32> to vector<16xf32>
      %get3A_154 = arith.constant 6 : i32
      %get3A_155 = arith.index_cast %get3A_154 : i32 to index
      %get3A_156 = arith.constant 0 : index
      %get3A_157 = tpu.vector_load %arg10[%get3A_155, %get3A_156] {strides = array<i32>} : memref<15x16xf32, #tpu.memory_space<vmem>>, vector<1x16xf32>,
      %get3A_158 = vector.shape_cast %get3A_157 : vector<1x16xf32> to vector<16xf32>
      %mul3A_159 = arith.mulf %get3A_153, %get3A_158 : vector<16xf32>
      %add3A_160 = arith.addf %add3A_148, %mul3A_159 : vector<16xf32>
      %get3A_161 = arith.constant 7 : i32
      %get3A_162 = arith.index_cast %get3A_161 : i32 to index
      %get3A_163 = arith.index_cast %mul3A_76 : i32 to index
      %get3A_164 = tpu.vector_load %arg9[%get3A_162, %get3A_163] {strides = array<i32>} : memref<13x512xf32, #tpu.memory_space<vmem>>, vector<1x16xf32>,
      %get3A_165 = vector.shape_cast %get3A_164 : vector<1x16xf32> to vector<16xf32>
      %get3A_166 = arith.constant 7 : i32
      %get3A_167 = arith.index_cast %get3A_166 : i32 to index
      %get3A_168 = arith.constant 0 : index
      %get3A_169 = tpu.vector_load %arg10[%get3A_167, %get3A_168] {strides = array<i32>} : memref<15x16xf32, #tpu.memory_space<vmem>>, vector<1x16xf32>,
      %get3A_170 = vector.shape_cast %get3A_169 : vector<1x16xf32> to vector<16xf32>
      %mul3A_171 = arith.mulf %get3A_165, %get3A_170 : vector<16xf32>
      %add3A_172 = arith.addf %add3A_160, %mul3A_171 : vector<16xf32>
      %get3A_173 = arith.constant 8 : i32
      %get3A_174 = arith.index_cast %get3A_173 : i32 to index
      %get3A_175 = arith.index_cast %mul3A_76 : i32 to index
      %get3A_176 = tpu.vector_load %arg9[%get3A_174, %get3A_175] {strides = array<i32>} : memref<13x512xf32, #tpu.memory_space<vmem>>, vector<1x16xf32>,
      %get3A_177 = vector.shape_cast %get3A_176 : vector<1x16xf32> to vector<16xf32>
      %get3A_178 = arith.constant 8 : i32
      %get3A_179 = arith.index_cast %get3A_178 : i32 to index
      %get3A_180 = arith.constant 0 : index
      %get3A_181 = tpu.vector_load %arg10[%get3A_179, %get3A_180] {strides = array<i32>} : memref<15x16xf32, #tpu.memory_space<vmem>>, vector<1x16xf32>,
      %get3A_182 = vector.shape_cast %get3A_181 : vector<1x16xf32> to vector<16xf32>
      %mul3A_183 = arith.mulf %get3A_177, %get3A_182 : vector<16xf32>
      %add3A_184 = arith.addf %add3A_172, %mul3A_183 : vector<16xf32>
      %get3A_185 = arith.constant 9 : i32
      %get3A_186 = arith.index_cast %get3A_185 : i32 to index
      %get3A_187 = arith.index_cast %mul3A_76 : i32 to index
      %get3A_188 = tpu.vector_load %arg9[%get3A_186, %get3A_187] {strides = array<i32>} : memref<13x512xf32, #tpu.memory_space<vmem>>, vector<1x16xf32>,
      %get3A_189 = vector.shape_cast %get3A_188 : vector<1x16xf32> to vector<16xf32>
      %get3A_190 = arith.constant 9 : i32
      %get3A_191 = arith.index_cast %get3A_190 : i32 to index
      %get3A_192 = arith.constant 0 : index
      %get3A_193 = tpu.vector_load %arg10[%get3A_191, %get3A_192] {strides = array<i32>} : memref<15x16xf32, #tpu.memory_space<vmem>>, vector<1x16xf32>,
      %get3A_194 = vector.shape_cast %get3A_193 : vector<1x16xf32> to vector<16xf32>
      %mul3A_195 = arith.mulf %get3A_189, %get3A_194 : vector<16xf32>
      %add3A_196 = arith.addf %add3A_184, %mul3A_195 : vector<16xf32>
      %get3A_197 = arith.constant 10 : i32
      %get3A_198 = arith.index_cast %get3A_197 : i32 to index
      %get3A_199 = arith.index_cast %mul3A_76 : i32 to index
      %get3A_200 = tpu.vector_load %arg9[%get3A_198, %get3A_199] {strides = array<i32>} : memref<13x512xf32, #tpu.memory_space<vmem>>, vector<1x16xf32>,
      %get3A_201 = vector.shape_cast %get3A_200 : vector<1x16xf32> to vector<16xf32>
      %get3A_202 = arith.constant 10 : i32
      %get3A_203 = arith.index_cast %get3A_202 : i32 to index
      %get3A_204 = arith.constant 0 : index
      %get3A_205 = tpu.vector_load %arg10[%get3A_203, %get3A_204] {strides = array<i32>} : memref<15x16xf32, #tpu.memory_space<vmem>>, vector<1x16xf32>,
      %get3A_206 = vector.shape_cast %get3A_205 : vector<1x16xf32> to vector<16xf32>
      %mul3A_207 = arith.mulf %get3A_201, %get3A_206 : vector<16xf32>
      %add3A_208 = arith.addf %add3A_196, %mul3A_207 : vector<16xf32>
      %get3A_209 = arith.constant 11 : i32
      %get3A_210 = arith.index_cast %get3A_209 : i32 to index
      %get3A_211 = arith.index_cast %mul3A_76 : i32 to index
      %get3A_212 = tpu.vector_load %arg9[%get3A_210, %get3A_211] {strides = array<i32>} : memref<13x512xf32, #tpu.memory_space<vmem>>, vector<1x16xf32>,
      %get3A_213 = vector.shape_cast %get3A_212 : vector<1x16xf32> to vector<16xf32>
      %get3A_214 = arith.constant 11 : i32
      %get3A_215 = arith.index_cast %get3A_214 : i32 to index
      %get3A_216 = arith.constant 0 : index
      %get3A_217 = tpu.vector_load %arg10[%get3A_215, %get3A_216] {strides = array<i32>} : memref<15x16xf32, #tpu.memory_space<vmem>>, vector<1x16xf32>,
      %get3A_218 = vector.shape_cast %get3A_217 : vector<1x16xf32> to vector<16xf32>
      %mul3A_219 = arith.mulf %get3A_213, %get3A_218 : vector<16xf32>
      %add3A_220 = arith.addf %add3A_208, %mul3A_219 : vector<16xf32>
      %get3A_221 = arith.constant 12 : i32
      %get3A_222 = arith.index_cast %get3A_221 : i32 to index
      %get3A_223 = arith.index_cast %mul3A_76 : i32 to index
      %get3A_224 = tpu.vector_load %arg9[%get3A_222, %get3A_223] {strides = array<i32>} : memref<13x512xf32, #tpu.memory_space<vmem>>, vector<1x16xf32>,
      %get3A_225 = vector.shape_cast %get3A_224 : vector<1x16xf32> to vector<16xf32>
      %get3A_226 = arith.constant 12 : i32
      %get3A_227 = arith.index_cast %get3A_226 : i32 to index
      %get3A_228 = arith.constant 0 : index
      %get3A_229 = tpu.vector_load %arg10[%get3A_227, %get3A_228] {strides = array<i32>} : memref<15x16xf32, #tpu.memory_space<vmem>>, vector<1x16xf32>,
      %get3A_230 = vector.shape_cast %get3A_229 : vector<1x16xf32> to vector<16xf32>
      %mul3A_231 = arith.mulf %get3A_225, %get3A_230 : vector<16xf32>
      %add3A_232 = arith.addf %add3A_220, %mul3A_231 : vector<16xf32>
      %add3A_233 = arith.constant 0 : i32
      %add3A_234 = arith.addi %add3A_233, %select_n3A : i32
      %get3A_235 = arith.index_cast %add3A_234 : i32 to index
      %get3A_236 = arith.index_cast %mul3A_74 : i32 to index
      %get3A_237 = tpu.vector_load %arg8[%get3A_235, %get3A_236] {strides = array<i32>} : memref<104x128xf32, #tpu.memory_space<vmem>>, vector<1x16xf32>,
      %get3A_238 = vector.shape_cast %get3A_237 : vector<1x16xf32> to vector<16xf32>
      %add3A_239 = arith.addf %add3A_232, %get3A_238 : vector<16xf32>
      %add3A_240 = arith.constant 4 : i32
      %add3A_241 = arith.addi %add3A_240, %select_n3A : i32
      %get3A_242 = arith.index_cast %add3A_241 : i32 to index
      %get3A_243 = arith.index_cast %mul3A_74 : i32 to index
      %get3A_244 = tpu.vector_load %arg8[%get3A_242, %get3A_243] {strides = array<i32>} : memref<104x128xf32, #tpu.memory_space<vmem>>, vector<1x16xf32>,
      %get3A_245 = vector.shape_cast %get3A_244 : vector<1x16xf32> to vector<16xf32>
      %add3A_246 = arith.addf %add3A_239, %get3A_245 : vector<16xf32>
      %add3A_247 = arith.constant 8 : i32
      %add3A_248 = arith.addi %add3A_247, %select_n3A : i32
      %get3A_249 = arith.index_cast %add3A_248 : i32 to index
      %get3A_250 = arith.index_cast %mul3A_74 : i32 to index
      %get3A_251 = tpu.vector_load %arg8[%get3A_249, %get3A_250] {strides = array<i32>} : memref<104x128xf32, #tpu.memory_space<vmem>>, vector<1x16xf32>,
      %get3A_252 = vector.shape_cast %get3A_251 : vector<1x16xf32> to vector<16xf32>
      %add3A_253 = arith.addf %add3A_246, %get3A_252 : vector<16xf32>
      %add3A_254 = arith.constant 12 : i32
      %add3A_255 = arith.addi %add3A_254, %select_n3A : i32
      %get3A_256 = arith.index_cast %add3A_255 : i32 to index
      %get3A_257 = arith.index_cast %mul3A_74 : i32 to index
      %get3A_258 = tpu.vector_load %arg8[%get3A_256, %get3A_257] {strides = array<i32>} : memref<104x128xf32, #tpu.memory_space<vmem>>, vector<1x16xf32>,
      %get3A_259 = vector.shape_cast %get3A_258 : vector<1x16xf32> to vector<16xf32>
      %add3A_260 = arith.addf %add3A_253, %get3A_259 : vector<16xf32>
      %add3A_261 = arith.constant 16 : i32
      %add3A_262 = arith.addi %add3A_261, %select_n3A : i32
      %get3A_263 = arith.index_cast %add3A_262 : i32 to index
      %get3A_264 = arith.index_cast %mul3A_74 : i32 to index
      %get3A_265 = tpu.vector_load %arg8[%get3A_263, %get3A_264] {strides = array<i32>} : memref<104x128xf32, #tpu.memory_space<vmem>>, vector<1x16xf32>,
      %get3A_266 = vector.shape_cast %get3A_265 : vector<1x16xf32> to vector<16xf32>
      %add3A_267 = arith.addf %add3A_260, %get3A_266 : vector<16xf32>
      %add3A_268 = arith.constant 20 : i32
      %add3A_269 = arith.addi %add3A_268, %select_n3A : i32
      %get3A_270 = arith.index_cast %add3A_269 : i32 to index
      %get3A_271 = arith.index_cast %mul3A_74 : i32 to index
      %get3A_272 = tpu.vector_load %arg8[%get3A_270, %get3A_271] {strides = array<i32>} : memref<104x128xf32, #tpu.memory_space<vmem>>, vector<1x16xf32>,
      %get3A_273 = vector.shape_cast %get3A_272 : vector<1x16xf32> to vector<16xf32>
      %add3A_274 = arith.addf %add3A_267, %get3A_273 : vector<16xf32>
      %add3A_275 = arith.constant 24 : i32
      %add3A_276 = arith.addi %add3A_275, %select_n3A : i32
      %get3A_277 = arith.index_cast %add3A_276 : i32 to index
      %get3A_278 = arith.index_cast %mul3A_74 : i32 to index
      %get3A_279 = tpu.vector_load %arg8[%get3A_277, %get3A_278] {strides = array<i32>} : memref<104x128xf32, #tpu.memory_space<vmem>>, vector<1x16xf32>,
      %get3A_280 = vector.shape_cast %get3A_279 : vector<1x16xf32> to vector<16xf32>
      %add3A_281 = arith.addf %add3A_274, %get3A_280 : vector<16xf32>
      %add3A_282 = arith.constant 28 : i32
      %add3A_283 = arith.addi %add3A_282, %select_n3A : i32
      %get3A_284 = arith.index_cast %add3A_283 : i32 to index
      %get3A_285 = arith.index_cast %mul3A_74 : i32 to index
      %get3A_286 = tpu.vector_load %arg8[%get3A_284, %get3A_285] {strides = array<i32>} : memref<104x128xf32, #tpu.memory_space<vmem>>, vector<1x16xf32>,
      %get3A_287 = vector.shape_cast %get3A_286 : vector<1x16xf32> to vector<16xf32>
      %add3A_288 = arith.addf %add3A_281, %get3A_287 : vector<16xf32>
      %add3A_289 = arith.constant 32 : i32
      %add3A_290 = arith.addi %add3A_289, %select_n3A : i32
      %get3A_291 = arith.index_cast %add3A_290 : i32 to index
      %get3A_292 = arith.index_cast %mul3A_74 : i32 to index
      %get3A_293 = tpu.vector_load %arg8[%get3A_291, %get3A_292] {strides = array<i32>} : memref<104x128xf32, #tpu.memory_space<vmem>>, vector<1x16xf32>,
      %get3A_294 = vector.shape_cast %get3A_293 : vector<1x16xf32> to vector<16xf32>
      %add3A_295 = arith.addf %add3A_288, %get3A_294 : vector<16xf32>
      %add3A_296 = arith.constant 36 : i32
      %add3A_297 = arith.addi %add3A_296, %select_n3A : i32
      %get3A_298 = arith.index_cast %add3A_297 : i32 to index
      %get3A_299 = arith.index_cast %mul3A_74 : i32 to index
      %get3A_300 = tpu.vector_load %arg8[%get3A_298, %get3A_299] {strides = array<i32>} : memref<104x128xf32, #tpu.memory_space<vmem>>, vector<1x16xf32>,
      %get3A_301 = vector.shape_cast %get3A_300 : vector<1x16xf32> to vector<16xf32>
      %add3A_302 = arith.addf %add3A_295, %get3A_301 : vector<16xf32>
      %add3A_303 = arith.constant 40 : i32
      %add3A_304 = arith.addi %add3A_303, %select_n3A : i32
      %get3A_305 = arith.index_cast %add3A_304 : i32 to index
      %get3A_306 = arith.index_cast %mul3A_74 : i32 to index
      %get3A_307 = tpu.vector_load %arg8[%get3A_305, %get3A_306] {strides = array<i32>} : memref<104x128xf32, #tpu.memory_space<vmem>>, vector<1x16xf32>,
      %get3A_308 = vector.shape_cast %get3A_307 : vector<1x16xf32> to vector<16xf32>
      %add3A_309 = arith.addf %add3A_302, %get3A_308 : vector<16xf32>
      %add3A_310 = arith.constant 44 : i32
      %add3A_311 = arith.addi %add3A_310, %select_n3A : i32
      %get3A_312 = arith.index_cast %add3A_311 : i32 to index
      %get3A_313 = arith.index_cast %mul3A_74 : i32 to index
      %get3A_314 = tpu.vector_load %arg8[%get3A_312, %get3A_313] {strides = array<i32>} : memref<104x128xf32, #tpu.memory_space<vmem>>, vector<1x16xf32>,
      %get3A_315 = vector.shape_cast %get3A_314 : vector<1x16xf32> to vector<16xf32>
      %add3A_316 = arith.addf %add3A_309, %get3A_315 : vector<16xf32>
      %add3A_317 = arith.constant 48 : i32
      %add3A_318 = arith.addi %add3A_317, %select_n3A : i32
      %get3A_319 = arith.index_cast %add3A_318 : i32 to index
      %get3A_320 = arith.index_cast %mul3A_74 : i32 to index
      %get3A_321 = tpu.vector_load %arg8[%get3A_319, %get3A_320] {strides = array<i32>} : memref<104x128xf32, #tpu.memory_space<vmem>>, vector<1x16xf32>,
      %get3A_322 = vector.shape_cast %get3A_321 : vector<1x16xf32> to vector<16xf32>
      %add3A_323 = arith.addf %add3A_316, %get3A_322 : vector<16xf32>
      %swap3A = arith.index_cast %mul3A_76 : i32 to index
      %swap3A_324 = tpu.vector_load %arg11[%swap3A] {strides = array<i32>} : memref<512xf32, #tpu.memory_space<vmem>>, vector<16xf32>,
      %swap3A_325 = vector.shape_cast %swap3A_324 : vector<16xf32> to vector<16xf32>
      %swap3A_326 = vector.shape_cast %add3A_323 : vector<16xf32> to vector<16xf32>
      tpu.vector_store %arg11[%swap3A], %swap3A_326 {strides = array<i32>} : memref<512xf32, #tpu.memory_space<vmem>>, vector<16xf32>,
    }
    %scan3A_27 = arith.constant 32 : i32
    %scan3A_28 = arith.constant 0 : i32
    %scan3A_29 = arith.constant 52 : i32
    %scan3A_30 = arith.constant 52 : i32
    %scan3A_31 = arith.addi %scan3A_29, %scan3A_30 : i32
    %scan3A_32 = arith.constant 1 : i32
    scf.for %scan3A_42 = %scan3A_29 to %scan3A_31 step %scan3A_32  : i32 {
      %dma_wait3A = arith.constant 0 : i32
      %dma_wait3A_43 = tpu.memref_slice %arg8[%scan3A_42, %dma_wait3A] : memref<104x128xf32, #tpu.memory_space<vmem>> -> memref<1x128xf32, #tpu.memory_space<vmem>>
      %dma_wait3A_44 = tpu.memref_squeeze %dma_wait3A_43 : memref<1x128xf32, #tpu.memory_space<vmem>> -> memref<128xf32, #tpu.memory_space<vmem>>
      %dma_wait3A_45 = arith.constant 0 : i32
      %dma_wait3A_46 = tpu.memref_slice %arg7[%scan3A_42, %dma_wait3A_45] : memref<104x128xi32, #tpu.memory_space<vmem>> -> memref<1x128xi32, #tpu.memory_space<vmem>>
      %dma_wait3A_47 = tpu.memref_squeeze %dma_wait3A_46 : memref<1x128xi32, #tpu.memory_space<vmem>> -> memref<128xi32, #tpu.memory_space<vmem>>
      %dma_wait3A_48 = arith.constant 0 : i32
      %dma_wait3A_49 = tpu.memref_slice %arg2[%dma_wait3A_48] : memref<1000000xf32, #tpu.memory_space<hbm>> -> memref<1000000xf32, #tpu.memory_space<hbm>>
      tpu.wait_indirect_dma semaphore(%arg12 : memref<!tpu.dma_semaphore, #tpu.memory_space<semaphore_mem>>) src(%dma_wait3A_49 : memref<1000000xf32, #tpu.memory_space<hbm>>) dst(%dma_wait3A_44 : memref<128xf32, #tpu.memory_space<vmem>>)
    }
    %scan3A_33 = arith.constant 52 : i32
    %scan3A_34 = arith.constant 0 : i32
    %scan3A_35 = arith.constant 0 : i32
    %scan3A_36 = arith.constant 32 : i32
    %scan3A_37 = arith.addi %scan3A_35, %scan3A_36 : i32
    %scan3A_38 = arith.constant 1 : i32
    scf.for %scan3A_42 = %scan3A_35 to %scan3A_37 step %scan3A_38  : i32 {
      %jit3A = arith.constant 8 : i32
      %div3A = arith.divsi %scan3A_42, %jit3A : i32
      %sign3A = arith.constant 0 : i32
      %sign3A_43 = arith.cmpi sgt, %scan3A_42, %sign3A : i32
      %sign3A_44 = arith.extui %sign3A_43 : i1 to i32
      %sign3A_45 = arith.constant 0 : i32
      %sign3A_46 = arith.cmpi slt, %scan3A_42, %sign3A_45 : i32
      %sign3A_47 = arith.extui %sign3A_46 : i1 to i32
      %sign3A_48 = arith.subi %sign3A_44, %sign3A_47 : i32
      %sign3A_49 = arith.constant 0 : i32
      %sign3A_50 = arith.cmpi sgt, %jit3A, %sign3A_49 : i32
      %sign3A_51 = arith.extui %sign3A_50 : i1 to i32
      %sign3A_52 = arith.constant 0 : i32
      %sign3A_53 = arith.cmpi slt, %jit3A, %sign3A_52 : i32
      %sign3A_54 = arith.extui %sign3A_53 : i1 to i32
      %sign3A_55 = arith.subi %sign3A_51, %sign3A_54 : i32
      %ne3A = arith.cmpi ne, %sign3A_48, %sign3A_55 : i32
      %rem3A = arith.remsi %scan3A_42, %jit3A : i32
      %ne3A_56 = arith.constant 0 : i32
      %ne3A_57 = arith.cmpi ne, %rem3A, %ne3A_56 : i32
      %and3A = arith.andi %ne3A, %ne3A_57 : i1
      %sub3A = arith.constant 1 : i32
      %sub3A_58 = arith.subi %div3A, %sub3A : i32
      %select_n3A = arith.select %and3A, %sub3A_58, %div3A : i32
      %jit3A_59 = arith.constant 8 : i32
      %eq3A = arith.constant 0 : i32
      %eq3A_60 = arith.cmpi eq, %jit3A_59, %eq3A : i32
      %jit3A_61 = arith.constant 1 : i32
      %select_n3A_62 = arith.select %eq3A_60, %jit3A_61, %jit3A_59 : i32
      %rem3A_63 = arith.remsi %scan3A_42, %select_n3A_62 : i32
      %ne3A_64 = arith.constant 0 : i32
      %ne3A_65 = arith.cmpi ne, %rem3A_63, %ne3A_64 : i32
      %lt3A = arith.constant 0 : i32
      %lt3A_66 = arith.cmpi slt, %rem3A_63, %lt3A : i32
      %lt3A_67 = arith.constant 0 : i32
      %lt3A_68 = arith.cmpi slt, %select_n3A_62, %lt3A_67 : i32
      %ne3A_69 = arith.xori %lt3A_66, %lt3A_68 : i1
      %and3A_70 = arith.andi %ne3A_69, %ne3A_65 : i1
      %add3A_71 = arith.addi %rem3A_63, %select_n3A_62 : i32
      %select_n3A_72 = arith.select %and3A_70, %add3A_71, %rem3A_63 : i32
      %mul3A_73 = arith.constant 16 : i32
      %mul3A_74 = arith.muli %select_n3A_72, %mul3A_73 : i32
      %mul3A_75 = arith.constant 16 : i32
      %mul3A_76 = arith.muli %scan3A_42, %mul3A_75 : i32
      %get3A_77 = arith.index_cast %mul3A_76 : i32 to index
      %get3A_78 = tpu.vector_load %arg11[%get3A_77] {strides = array<i32>} : memref<512xf32, #tpu.memory_space<vmem>>, vector<16xf32>,
      %get3A_79 = vector.shape_cast %get3A_78 : vector<16xf32> to vector<16xf32>
      %add3A_80 = arith.constant 52 : i32
      %add3A_81 = arith.addi %add3A_80, %select_n3A : i32
      %get3A_82 = arith.index_cast %add3A_81 : i32 to index
      %get3A_83 = arith.index_cast %mul3A_74 : i32 to index
      %get3A_84 = tpu.vector_load %arg8[%get3A_82, %get3A_83] {strides = array<i32>} : memref<104x128xf32, #tpu.memory_space<vmem>>, vector<1x16xf32>,
      %get3A_85 = vector.shape_cast %get3A_84 : vector<1x16xf32> to vector<16xf32>
      %add3A_86 = arith.addf %get3A_79, %get3A_85 : vector<16xf32>
      %add3A_87 = arith.constant 56 : i32
      %add3A_88 = arith.addi %add3A_87, %select_n3A : i32
      %get3A_89 = arith.index_cast %add3A_88 : i32 to index
      %get3A_90 = arith.index_cast %mul3A_74 : i32 to index
      %get3A_91 = tpu.vector_load %arg8[%get3A_89, %get3A_90] {strides = array<i32>} : memref<104x128xf32, #tpu.memory_space<vmem>>, vector<1x16xf32>,
      %get3A_92 = vector.shape_cast %get3A_91 : vector<1x16xf32> to vector<16xf32>
      %add3A_93 = arith.addf %add3A_86, %get3A_92 : vector<16xf32>
      %add3A_94 = arith.constant 60 : i32
      %add3A_95 = arith.addi %add3A_94, %select_n3A : i32
      %get3A_96 = arith.index_cast %add3A_95 : i32 to index
      %get3A_97 = arith.index_cast %mul3A_74 : i32 to index
      %get3A_98 = tpu.vector_load %arg8[%get3A_96, %get3A_97] {strides = array<i32>} : memref<104x128xf32, #tpu.memory_space<vmem>>, vector<1x16xf32>,
      %get3A_99 = vector.shape_cast %get3A_98 : vector<1x16xf32> to vector<16xf32>
      %add3A_100 = arith.addf %add3A_93, %get3A_99 : vector<16xf32>
      %add3A_101 = arith.constant 64 : i32
      %add3A_102 = arith.addi %add3A_101, %select_n3A : i32
      %get3A_103 = arith.index_cast %add3A_102 : i32 to index
      %get3A_104 = arith.index_cast %mul3A_74 : i32 to index
      %get3A_105 = tpu.vector_load %arg8[%get3A_103, %get3A_104] {strides = array<i32>} : memref<104x128xf32, #tpu.memory_space<vmem>>, vector<1x16xf32>,
      %get3A_106 = vector.shape_cast %get3A_105 : vector<1x16xf32> to vector<16xf32>
      %add3A_107 = arith.addf %add3A_100, %get3A_106 : vector<16xf32>
      %add3A_108 = arith.constant 68 : i32
      %add3A_109 = arith.addi %add3A_108, %select_n3A : i32
      %get3A_110 = arith.index_cast %add3A_109 : i32 to index
      %get3A_111 = arith.index_cast %mul3A_74 : i32 to index
      %get3A_112 = tpu.vector_load %arg8[%get3A_110, %get3A_111] {strides = array<i32>} : memref<104x128xf32, #tpu.memory_space<vmem>>, vector<1x16xf32>,
      %get3A_113 = vector.shape_cast %get3A_112 : vector<1x16xf32> to vector<16xf32>
      %add3A_114 = arith.addf %add3A_107, %get3A_113 : vector<16xf32>
      %add3A_115 = arith.constant 72 : i32
      %add3A_116 = arith.addi %add3A_115, %select_n3A : i32
      %get3A_117 = arith.index_cast %add3A_116 : i32 to index
      %get3A_118 = arith.index_cast %mul3A_74 : i32 to index
      %get3A_119 = tpu.vector_load %arg8[%get3A_117, %get3A_118] {strides = array<i32>} : memref<104x128xf32, #tpu.memory_space<vmem>>, vector<1x16xf32>,
      %get3A_120 = vector.shape_cast %get3A_119 : vector<1x16xf32> to vector<16xf32>
      %add3A_121 = arith.addf %add3A_114, %get3A_120 : vector<16xf32>
      %add3A_122 = arith.constant 76 : i32
      %add3A_123 = arith.addi %add3A_122, %select_n3A : i32
      %get3A_124 = arith.index_cast %add3A_123 : i32 to index
      %get3A_125 = arith.index_cast %mul3A_74 : i32 to index
      %get3A_126 = tpu.vector_load %arg8[%get3A_124, %get3A_125] {strides = array<i32>} : memref<104x128xf32, #tpu.memory_space<vmem>>, vector<1x16xf32>,
      %get3A_127 = vector.shape_cast %get3A_126 : vector<1x16xf32> to vector<16xf32>
      %add3A_128 = arith.addf %add3A_121, %get3A_127 : vector<16xf32>
      %add3A_129 = arith.constant 80 : i32
      %add3A_130 = arith.addi %add3A_129, %select_n3A : i32
      %get3A_131 = arith.index_cast %add3A_130 : i32 to index
      %get3A_132 = arith.index_cast %mul3A_74 : i32 to index
      %get3A_133 = tpu.vector_load %arg8[%get3A_131, %get3A_132] {strides = array<i32>} : memref<104x128xf32, #tpu.memory_space<vmem>>, vector<1x16xf32>,
      %get3A_134 = vector.shape_cast %get3A_133 : vector<1x16xf32> to vector<16xf32>
      %add3A_135 = arith.addf %add3A_128, %get3A_134 : vector<16xf32>
      %add3A_136 = arith.constant 84 : i32
      %add3A_137 = arith.addi %add3A_136, %select_n3A : i32
      %get3A_138 = arith.index_cast %add3A_137 : i32 to index
      %get3A_139 = arith.index_cast %mul3A_74 : i32 to index
      %get3A_140 = tpu.vector_load %arg8[%get3A_138, %get3A_139] {strides = array<i32>} : memref<104x128xf32, #tpu.memory_space<vmem>>, vector<1x16xf32>,
      %get3A_141 = vector.shape_cast %get3A_140 : vector<1x16xf32> to vector<16xf32>
      %add3A_142 = arith.addf %add3A_135, %get3A_141 : vector<16xf32>
      %add3A_143 = arith.constant 88 : i32
      %add3A_144 = arith.addi %add3A_143, %select_n3A : i32
      %get3A_145 = arith.index_cast %add3A_144 : i32 to index
      %get3A_146 = arith.index_cast %mul3A_74 : i32 to index
      %get3A_147 = tpu.vector_load %arg8[%get3A_145, %get3A_146] {strides = array<i32>} : memref<104x128xf32, #tpu.memory_space<vmem>>, vector<1x16xf32>,
      %get3A_148 = vector.shape_cast %get3A_147 : vector<1x16xf32> to vector<16xf32>
      %add3A_149 = arith.addf %add3A_142, %get3A_148 : vector<16xf32>
      %add3A_150 = arith.constant 92 : i32
      %add3A_151 = arith.addi %add3A_150, %select_n3A : i32
      %get3A_152 = arith.index_cast %add3A_151 : i32 to index
      %get3A_153 = arith.index_cast %mul3A_74 : i32 to index
      %get3A_154 = tpu.vector_load %arg8[%get3A_152, %get3A_153] {strides = array<i32>} : memref<104x128xf32, #tpu.memory_space<vmem>>, vector<1x16xf32>,
      %get3A_155 = vector.shape_cast %get3A_154 : vector<1x16xf32> to vector<16xf32>
      %add3A_156 = arith.addf %add3A_149, %get3A_155 : vector<16xf32>
      %add3A_157 = arith.constant 96 : i32
      %add3A_158 = arith.addi %add3A_157, %select_n3A : i32
      %get3A_159 = arith.index_cast %add3A_158 : i32 to index
      %get3A_160 = arith.index_cast %mul3A_74 : i32 to index
      %get3A_161 = tpu.vector_load %arg8[%get3A_159, %get3A_160] {strides = array<i32>} : memref<104x128xf32, #tpu.memory_space<vmem>>, vector<1x16xf32>,
      %get3A_162 = vector.shape_cast %get3A_161 : vector<1x16xf32> to vector<16xf32>
      %add3A_163 = arith.addf %add3A_156, %get3A_162 : vector<16xf32>
      %add3A_164 = arith.constant 100 : i32
      %add3A_165 = arith.addi %add3A_164, %select_n3A : i32
      %get3A_166 = arith.index_cast %add3A_165 : i32 to index
      %get3A_167 = arith.index_cast %mul3A_74 : i32 to index
      %get3A_168 = tpu.vector_load %arg8[%get3A_166, %get3A_167] {strides = array<i32>} : memref<104x128xf32, #tpu.memory_space<vmem>>, vector<1x16xf32>,
      %get3A_169 = vector.shape_cast %get3A_168 : vector<1x16xf32> to vector<16xf32>
      %add3A_170 = arith.addf %add3A_163, %get3A_169 : vector<16xf32>
      %swap3A = arith.index_cast %mul3A_76 : i32 to index
      %swap3A_171 = tpu.vector_load %arg11[%swap3A] {strides = array<i32>} : memref<512xf32, #tpu.memory_space<vmem>>, vector<16xf32>,
      %swap3A_172 = vector.shape_cast %swap3A_171 : vector<16xf32> to vector<16xf32>
      %swap3A_173 = vector.shape_cast %add3A_170 : vector<16xf32> to vector<16xf32>
      tpu.vector_store %arg11[%swap3A], %swap3A_173 {strides = array<i32>} : memref<512xf32, #tpu.memory_space<vmem>>, vector<16xf32>,
    }
    %scan3A_39 = arith.constant 32 : i32
    %mul3A_40 = arith.constant 512 : i32
    %mul3A_41 = arith.muli %add3A, %mul3A_40 : i32
    "tpu.region"() ({
      %run_scoped3A = tpu.sem_alloc : memref<!tpu.dma_semaphore, #tpu.memory_space<semaphore_mem>>
      %dma_start3A = tpu.memref_slice %arg6[%mul3A_41] : memref<16384xf32, #tpu.memory_space<hbm>> -> memref<512xf32, #tpu.memory_space<hbm>>
      %dma_start3A_42 = tpu.memref_slice %arg6[%mul3A_41] : memref<16384xf32, #tpu.memory_space<hbm>> -> memref<512xf32, #tpu.memory_space<hbm>>
      tpu.enqueue_dma source(%arg11 : memref<512xf32, #tpu.memory_space<vmem>>) target(%dma_start3A_42 : memref<512xf32, #tpu.memory_space<hbm>>) target_semaphore(%run_scoped3A : memref<!tpu.dma_semaphore, #tpu.memory_space<semaphore_mem>>)
      %dma_wait3A = tpu.memref_slice %arg6[%mul3A_41] : memref<16384xf32, #tpu.memory_space<hbm>> -> memref<512xf32, #tpu.memory_space<hbm>>
      %dma_wait3A_43 = tpu.memref_slice %arg6[%mul3A_41] : memref<16384xf32, #tpu.memory_space<hbm>> -> memref<512xf32, #tpu.memory_space<hbm>>
      tpu.wait_dma2 semaphore(%run_scoped3A : memref<!tpu.dma_semaphore, #tpu.memory_space<semaphore_mem>>) src(%arg11 : memref<512xf32, #tpu.memory_space<vmem>>) dst(%dma_wait3A_43 : memref<512xf32, #tpu.memory_space<hbm>>)
      tpu.yield
    }) : () -> ()
    return
  }
}

</mosaic_0001>

<sc_bundles>
// kernel: kernel.3.cloned.1.call-start
scs
__scs_entry_jumppad:
0x0: {  	(pc) =	sbr.rel $0x88, $3  }
0x1: {  	(tag) =	ssettag $0x0;
	lr =	simm.s32 $0x1  }
0x2: {  	[smem:$0x3F9B] =	sst lr;
	_ =	strace $0xD0000000  }
0x3: {  	_ = 	snop  }
0x4: {  	_ = 	snop  }
0x5: {  	_ = 	snop  }
0x6: {  	_ = 	snop  }
0x7: {  	_ = 	snop  }
__scs_overlays_trampoline_lowered:
0x8: {  	[smem:$0x3FAA] =	sst s0  }
0x9: {  	[smem:$0x3FAB] =	sst s1  }
0xa: {  	[smem:$0x3FAC] =	sst s2  }
0xb: {  	[smem:$0x3FAD] =	sst s3  }
0xc: {  	[smem:$0x3FAE] =	sst s4  }
0xd: {  	[smem:$0x3FAF] =	sst s5  }
0xe: {  	[smem:$0x3FB0] =	sst s6  }
0xf: {  	[smem:$0x3FB1] =	sst s7  }
0x10: {  	[smem:$0x3FB2] =	sst s8  }
0x11: {  	[smem:$0x3FB3] =	sst s9;
	s0 =	simm.s32 @!p0 $0x0  }
0x12: {  	s1 =	sld [smem:$0x3F99];
	s0 =	simm.s32 @p0 $0x1  }
0x13: {  	[smem:$0x3FB4] =	sst s0;
	s0 =	simm.s32 @!p1 $0x0  }
0x14: {  	s2 =	sld [smem:$0x3F98];
	s0 =	simm.s32 @p1 $0x1  }
0x15: {  	[smem:$0x3FB5] =	sst s0;
	s0 =	simm.s32 @!p2 $0x0  }
0x16: {  	s3 =	sld [smem:$0x3FDB];
	s0 =	simm.s32 @p2 $0x1  }
0x17: {  	s4 =	simm.s32 $0x1BF5;
	[smem:$0x3FB7] =	sst s0  }
0x18: {  	s0 =	sld [smem:$0x3F9A];
	_ =	swait.ge [sflag:s4], $0x0  }
0x19: {  	s7 =	sld [smem:$0x3F9B]  }
0x1a: {  	s8 =	sadd.s32 $0xFFFFE003, lr  }
0x1b: {  	s9 =	sadd.s32 $0xFFFFFEF7, lr;
	s5 =	simm.s32 $0xFFFFFFFF;
	p2 =	slt.u32 s8, $0xFFFFF086  }
0x1c: {  	p1 =	slt.u32 s9, $0xF7A;
	s5 =	simm.s32 @!p2 $0x0  }
0x1d: {  	s5 =	simm.s32 @p1 $0x1;
	p0 =	seq.s32 s7, s2  }
0x1e: {  	s7 =	smul.u32 @!p0 $0xF7A, s2;
	p2 =	seq.s32 @!p0 s5, $0x0  }
0x1f: {  	s9 =	smul.u32 $0xF7A, s1;
	s8 =	simm.s32 @!p0 $0x1BF5;
	p2 =	por !p2, p0  }
0x20: {  	[sflag:s8] =	ssyncset.s32 @!p0 $0xFFFFF086;
	s6 =	sadd.s32 @!p0 s3, s7;
	s7 =	simm.s32 @!p0 $0x108  }
0x21: {  	s3 =	sadd.s32 s3, s9;
	s6 =	sadd.s32 @!p0 $0x88, s6;
	s7 =	simm.s32 @p2 $0x1082  }
0x22: {  	[simem:s7], [sflag:s8] =	dma.local @!p0 [hbm:s6], $0xF7A  }
0x23: {  	s9 =	sor.u32 $0xD0000000, s2;
	s6 =	simm.s32 $0x108;
	_ =	swait.ge @!p0 [sflag:s8], $0x0  }
0x24: {  	s3 =	sadd.s32 $0x88, s3;
	s6 =	simm.s32 @!p1 $0x1082;
	[sflag:s4] =	ssyncset.s32 $0xFFFFF086  }
0x25: {  	[simem:s6], [sflag:s4] =	dma.local [hbm:s3], $0xF7A  }
0x26: {  	[smem:$0x3F9B] =	sst s1;
	(tag) =	ssettag s2;
	_ =	strace s9  }
0x27: {  	s1 =	sld [smem:$0x3FAB]  }
0x28: {  	s2 =	sld [smem:$0x3FAC]  }
0x29: {  	s4 =	sld [smem:$0x3FAE]  }
0x2a: {  	p0 =	seq.s32 s5, $0x0;
	s5 =	sld [smem:$0x3FAF]  }
0x2b: {  	s6 =	sld [smem:$0x3FB0]  }
0x2c: {  	s7 =	sld [smem:$0x3FB1]  }
0x2d: {  	s3 =	simm.s32 $0x108;
	s8 =	sld [smem:$0x3FB2]  }
0x2e: {  	s3 =	simm.s32 @!p0 $0x1082;
	s9 =	sld [smem:$0x3FB3]  }
0x2f: {  	lr =	sadd.s32 s0, s3;
	s0 =	sld [smem:$0x3FAA]  }
0x30: {  	s3 =	sld [smem:$0x3FAD]  }
0x31: {  	[smem:$0x3FB6] =	sst s10  }
0x32: {  	s10 =	sld [smem:$0x3FB4];
	_ =	sdelay $0x3  }
0x33: {  	p0 =	seq.s32 s10, $0x1;
	s10 =	sld [smem:$0x3FB6];
	_ =	sdelay $0x3  }
0x34: {  	[smem:$0x3FB6] =	sst s10  }
0x35: {  	s10 =	sld [smem:$0x3FB5];
	_ =	sdelay $0x3  }
0x36: {  	p1 =	seq.s32 s10, $0x1;
	s10 =	sld [smem:$0x3FB6];
	_ =	sdelay $0x3  }
0x37: {  	[smem:$0x3FB6] =	sst s10  }
0x38: {  	s10 =	sld [smem:$0x3FB7]  }
0x39: {  	_ = 	snop;
	(pc) =	sbr.ind lr, $3  }
0x3a: {  	_ = 	snop  }
0x3b: {  	_ = 	snop  }
0x3c: {  	p2 =	seq.s32 s10, $0x1;
	s10 =	sld [smem:$0x3FB6]  }
0x3d: {  	_ =	shalt  }
0x3e: {  	_ =	shalt  }
0x3f: {  	_ =	shalt  }
0x40: {  	_ =	shalt  }
0x41: {  	_ =	shalt  }
0x42: {  	_ =	shalt  }
0x43: {  	_ =	shalt  }
0x44: {  	_ =	shalt  }
0x45: {  	_ =	shalt  }
0x46: {  	_ =	shalt  }
0x47: {  	_ =	shalt  }
0x48: {  	_ =	shalt  }
0x49: {  	_ =	shalt  }
0x4a: {  	_ =	shalt  }
0x4b: {  	_ =	shalt  }
0x4c: {  	_ =	shalt  }
0x4d: {  	_ =	shalt  }
0x4e: {  	_ =	shalt  }
0x4f: {  	_ =	shalt  }
0x50: {  	_ =	shalt  }
0x51: {  	_ =	shalt  }
0x52: {  	_ =	shalt  }
0x53: {  	_ =	shalt  }
0x54: {  	_ =	shalt  }
0x55: {  	_ =	shalt  }
0x56: {  	_ =	shalt  }
0x57: {  	_ =	shalt  }
0x58: {  	_ =	shalt  }
0x59: {  	_ =	shalt  }
0x5a: {  	_ =	shalt  }
0x5b: {  	_ =	shalt  }
0x5c: {  	_ =	shalt  }
0x5d: {  	_ =	shalt  }
0x5e: {  	_ =	shalt  }
0x5f: {  	_ =	shalt  }
0x60: {  	_ =	shalt  }
0x61: {  	_ =	shalt  }
0x62: {  	_ =	shalt  }
0x63: {  	_ =	shalt  }
0x64: {  	_ =	shalt  }
0x65: {  	_ =	shalt  }
0x66: {  	_ =	shalt  }
0x67: {  	_ =	shalt  }
0x68: {  	_ =	shalt  }
0x69: {  	_ =	shalt  }
0x6a: {  	_ =	shalt  }
0x6b: {  	_ =	shalt  }
0x6c: {  	_ =	shalt  }
0x6d: {  	_ =	shalt  }
0x6e: {  	_ =	shalt  }
0x6f: {  	_ =	shalt  }
0x70: {  	_ =	shalt  }
0x71: {  	_ =	shalt  }
0x72: {  	_ =	shalt  }
0x73: {  	_ =	shalt  }
0x74: {  	_ =	shalt  }
0x75: {  	_ =	shalt  }
0x76: {  	_ =	shalt  }
0x77: {  	_ =	shalt  }
0x78: {  	_ =	shalt  }
0x79: {  	_ =	shalt  }
0x7a: {  	_ =	shalt  }
0x7b: {  	_ =	shalt  }
0x7c: {  	_ =	shalt  }
0x7d: {  	_ =	shalt  }
0x7e: {  	_ =	shalt  }
0x7f: {  	_ =	shalt  }
0x80: {  	_ =	shalt  }
0x81: {  	_ =	shalt  }
0x82: {  	_ =	shalt  }
0x83: {  	_ =	shalt  }
0x84: {  	_ =	shalt  }
0x85: {  	_ =	shalt  }
0x86: {  	_ =	shalt  }
0x87: {  	_ =	shalt  }
.Lfunc_end0:
.L_simem_size_0:
called_computation_lowered:
.L_overlay_start_0:
0x88: {  	s2 =	sld [smem:$0x3FD9]  }
0x89: {  	s3 =	sld [smem:$0x3FFE];
	_ =	sdelay $0x1  }
0x8a: {  	s1 =	srdreg.scid  }
0x8b: {  	s0 =	sand.u32 $0x1, s1  }
0x8c: {  	s17 =	sshll.u32 s0, $0xA;
	s2 =	sadd.s32 s3, s2  }
0x8d: {  	s2 =	sadd.s32 s2, s17  }
0x8e: {  	[smem:$0x3FC2] =	sst s2  }
0x8f: {  	_ = 	snop  }
0x90: {  	s2 =	sld [smem:$0x3FD0];
	(tm) =	ssettm $0x1  }
0x91: {  	s18 =	sld [smem:$0x3FFB];
	_ =	sdelay $0x3  }
0x92: {  	_ =	strace s18  }
0x93: {  	s3 =	sld [smem:$0x3FFC];
	_ =	sdelay $0x3  }
0x94: {  	_ =	strace s3  }
0x95: {  	s3 =	sld [smem:$0x3FFD];
	_ =	sdelay $0x3  }
0x96: {  	_ =	strace s3  }
0x97: {  	_ =	strace $0x8FFFFFFF  }
0x98: {  	s19 =	sld [smem:$0x3FDB];
	_ =	sdelay $0x1  }
0x99: {  	s4 =	simm.s32 $_scs_section_size  }
0x9a: {  	s5 =	simm.s32 $_size__tile_overlayer_lowered;
	s6 =	simm.s32 $_tile_overlayer_lowered  }
0x9b: {  	s22 =	simm.s32 $0x1BFF;
	s21 =	sshll.u32 s6, $0x1;
	s3 =	sadd.s32 s4, s19  }
0x9c: {  	s7 =	simm.s32 $0x0;
	s20 =	sshll.u32 s5, $0x1;
	s5 =	sadd.s32 s21, s3  }
0x9d: {  	[timem:s7], [sflag:s22] =	dma.local [hbm:s5], s20  }
0x9e: {  	_ =	swait.ge [sflag:s22], s20  }
0x9f: {  	s4 =	ssub.s32 $0x0, s20;
	[sflag:s22] =	ssyncset.done $0x0  }
0xa0: {  	[sflag:s22] =	ssyncadd.s32 s4;
	_ =	sdelay $0x1  }
0xa1: {  	s23 =	simm.s32 $0x1B8B  }
0xa2: {  	_ =	swait.ge [sflag:s23], $0x1  }
0xa3: {  	[sflag:s23] =	ssyncset.done $0x0  }
0xa4: {  	s25 =	simm.s32 $0x1B8E;
	s24 =	sld [smem:$0x3FFE];
	[sflag:s23] =	ssyncadd.s32 $0xFFFFFFFF  }
0xa5: {  	s26 =	simm.s32 $execute0_lowered;
	[smem:$0x3FD2] =	sst s25  }
0xa6: {  	s5 =	sshll.u32 s26, $0x1;
	_ =	strace $0x80000046;
	[dreg:$0x1] =	wrdreg $0xFFFFFFFF  }
0xa7: {  	s28 =	simm.s32 $_size_execute0_lowered;
	s3 =	sadd.s32 s3, s5;
	[dreg:$0x0] =	wrdreg $0x0  }
0xa8: {  	s5 =	sshll.u32 s28, $0x1;
	[dreg:$0x2] =	wrdreg s3  }
0xa9: {  	[dreg:$0x3] =	wrdreg s5  }
0xaa: {  	[dreg:$0x4] =	wrdreg $0xC0  }
0xab: {  	_ =	task [dreg:s7], $0x5FFFF  }
0xac: {  	[dreg:$0x1] =	wrdreg $0xFFFFFFFF  }
0xad: {  	[dreg:$0x0] =	wrdreg $0x60  }
0xae: {  	[dreg:$0x2] =	wrdreg s24  }
0xaf: {  	[dreg:$0x3] =	wrdreg s2  }
0xb0: {  	[dreg:$0x4] =	wrdreg $0x9  }
0xb1: {  	_ =	task.clear_ibuf [dreg:s7], $0x5FFFF;
	_ =	strace $0x90000046  }
0xb2: {  	s29 =	simm.s32 $0x9;
	_ =	strace $0x80000048  }
0xb3: {  	_ =	swait.ge [sflag:s29], $0x1  }
0xb4: {  	[sflag:s29] =	ssyncadd.s32 $0xFFFFFFFF  }
0xb5: {  	_ =	strace $0x90000048  }
0xb6: {  	_ =	sfence  }
0xb7: {  	s30 =	sld [smem:$0x0];
	_ =	sdelay $0x2  }
0xb8: {  	s31 =	sshll.u32 s1, $0xD;
	s1 =	sshrl.u32 s1, $0x2  }
0xb9: {  	s3 =	sand.u32 $0x4000, s31;
	s1 =	sadd.s32 s1, s30  }
0xba: {  	s0 =	sor.u32 s3, s0;
	s1 =	sshll.u32 s1, $0x11  }
0xbb: {  	s0 =	sor.u32 s1, s0  }
0xbc: {  	s0 =	sadd.s32 $0x8F2B, s0  }
0xbd: {  	[sflag:s0] =	ssyncadd.remote.s32 $0x1  }
0xbe: {  	_ =	sfence.sel $0xFFFF  }
0xbf: {  	[dreg:$0x0] =	wrdreg $0xFFFFFFFF;
	(pc) =	sbr.abs _section_cstart, $3  }
0xc0: {  	[dreg:$0x1] =	wrdreg $0xFFFFFFFF  }
0xc1: {  	_ =	task.clear_ibuf [dreg:s7], $0x2FFFF;
	_ =	strace $0x9FFFFFFF  }
0xc2: {  	(tm) =	ssettm $0x7FFFFFFF  }
0xc3: {  	_ =	shalt  }
tec
execute0_lowered:
.L_overlay_start_1:
0x0: {  	(tag) =	ssettag $0x1  }
0x1: {  	s4 =	rddreg [dreg:$0x0];
	s1 =	srdreg.scid  }
0x2: {  	s0 =	stileid.u32;
	s7 =	rddreg [dreg:$0x1];
	s2 =	simm.s32 $0x0  }
0x3: {  	s11 =	simm.s32 $0x8800;
	s12 =	simm.s32 $0x80;
	s13 =	simm.s32 $0x1  }
0x4: {  	s14 =	simm.s32 $0x9000;
	s5 =	sand.u32 $0x1, s1;
	s1 =	rddreg [dreg:$0x2]  }
0x5: {  	s15 =	simm.s32 $0x0;
	s3 =	sshll.u32 s0, $0x1;
	[smem:$0x7FF] =	sst s2  }
0x6: {  	s8 =	sor.u32 s5, s3;
	_ =	strace $0x80000047;
	s3 =	sadd.s32 $0x15600, s4  }
0x7: {  	s5 =	ssub.s32 $0x2, s5;
	s6 =	smul.u32 $0x680, s8;
	s9 =	sshll.u32 s8, $0xA  }
0x8: {  	s10 =	sshrl.u32 s5, $0x1;
	s8 =	sshll.u32 s8, $0x6;
	s9 =	sadd.s32 s9, s4  }
0x9: {  	s10 =	ssub.s32 s5, s10;
	s7 =	sadd.s32 s7, s8;
	s6 =	sadd.s32 s6, s4  }
0xa: {  	s4 =	sadd.s32 $0x34000, s4;
	s8 =	smax.u32 s10, $0x1;
	s10 =	simm.s32 $0x6800  }
0xb: {  	s5 =	sadd.s32 $0x8600, s6;
	s6 =	sadd.s32 $0x600, s9;
	s9 =	simm.s32 $0x2  }
.LBB2_1:
0xc: {  	[tilespmem:s2], [sflag:$0x2] =	stream.linear.gather [hbm4b:s5+s2], $0x3400, $0x38;
	[tilespmem:$0x9200] =	vst v63  }
0xd: {  	_ =	swait.ge [sflag:s9], $0x3400  }
0xe: {  	[sflag:s9] =	ssyncset.done $0x0  }
0xf: {  	[sflag:s9] =	ssyncadd.s32 $0xFFFFCC00  }
0x10: {  	[tilespmem:s10], [sflag:$0x2] =	stream.linear.gather [hbm4b:s6+s2], $0x2000, $0x38;
	[tilespmem:$0x9200] =	vst v63  }
0x11: {  	_ =	swait.ge [sflag:s9], $0x2000  }
0x12: {  	[sflag:s9] =	ssyncset.done $0x0  }
0x13: {  	[sflag:s9] =	ssyncadd.s32 $0xFFFFE000  }
0x14: {  	[tilespmem:s11], [sflag:$0x2] =	stream.linear.gather [hbm4b:s4+s2], $0x780, $0x38;
	[tilespmem:$0x9200] =	vst v63  }
0x15: {  	_ =	swait.ge [sflag:s9], $0x780  }
0x16: {  	[sflag:s9] =	ssyncset.done $0x0  }
0x17: {  	s16 =	simm.s32 $0x0;
	s17 =	simm.s32 $0x3400;
	[sflag:s9] =	ssyncadd.s32 $0xFFFFF880  }
0x18: {  	[tilespmem:s17], [sflag:$0x1] =	stream.indirect.gather [hbm4b:s3+s12], $0x1, s16, s12, $0xb8;
	[tilespmem:$0x9200] =	vst v63  }
0x19: {  	s19 =	simm.s32 $0x3480;
	s20 =	simm.s32 $0x80  }
0x1a: {  	[tilespmem:s19], [sflag:$0x1] =	stream.indirect.gather [hbm4b:s3+s12], $0x1, s20, s12, $0xb8;
	[tilespmem:$0x9200] =	vst v63  }
0x1b: {  	s21 =	simm.s32 $0x3500;
	s22 =	simm.s32 $0x100  }
0x1c: {  	[tilespmem:s21], [sflag:$0x1] =	stream.indirect.gather [hbm4b:s3+s12], $0x1, s22, s12, $0xb8;
	[tilespmem:$0x9200] =	vst v63  }
0x1d: {  	s23 =	simm.s32 $0x3580;
	s24 =	simm.s32 $0x180;
	s25 =	simm.s32 $0x3600  }
0x1e: {  	[tilespmem:s23], [sflag:$0x1] =	stream.indirect.gather [hbm4b:s3+s12], $0x1, s24, s12, $0xb8;
	[tilespmem:$0x9200] =	vst v63  }
0x1f: {  	s26 =	simm.s32 $0x200;
	s28 =	simm.s32 $0x3680;
	s29 =	simm.s32 $0x280  }
0x20: {  	[tilespmem:s25], [sflag:$0x1] =	stream.indirect.gather [hbm4b:s3+s12], $0x1, s26, s12, $0xb8;
	[tilespmem:$0x9200] =	vst v63  }
0x21: {  	s30 =	simm.s32 $0x3700;
	s31 =	simm.s32 $0x300;
	s18 =	simm.s32 $0x3780  }
0x22: {  	[tilespmem:s28], [sflag:$0x1] =	stream.indirect.gather [hbm4b:s3+s12], $0x1, s29, s12, $0xb8;
	[tilespmem:$0x9200] =	vst v63  }
0x23: {  	s16 =	simm.s32 $0x400;
	s17 =	simm.s32 $0x2000;
	s19 =	simm.s32 $0x380  }
0x24: {  	[tilespmem:s30], [sflag:$0x1] =	stream.indirect.gather [hbm4b:s3+s12], $0x1, s31, s12, $0xb8;
	[tilespmem:$0x9200] =	vst v63  }
.LBB2_2:
0x25: {  	[tilespmem:s18], [sflag:$0x1] =	stream.indirect.gather [hbm4b:s3+s12], $0x1, s19, s12, $0xb8;
	[tilespmem:$0x9200] =	vst v63  }
0x26: {  	s18 =	smov.u32 s17  }
0x27: {  	s21 =	sadd.s32 $0x1000, s17;
	s20 =	sshra.s32 s18, $0x2;
	s18 =	sadd.s32 $0x3400, s16  }
0x28: {  	[tilespmem:s18], [sflag:$0x1] =	stream.indirect.gather [hbm4b:s3+s12], $0x1, s16, s12, $0xb8;
	[tilespmem:$0x9200] =	vst v63  }
0x29: {  	p0 =	sne.s32 s17, $0xC000;
	s17 =	sadd.s32 $0x3480, s16;
	s18 =	sadd.s32 $0x80, s16  }
0x2a: {  	[tilespmem:s17], [sflag:$0x1] =	stream.indirect.gather [hbm4b:s3+s12], $0x1, s18, s12, $0xb8;
	[tilespmem:$0x9200] =	vst v63  }
0x2b: {  	s17 =	sadd.s32 $0x3500, s16;
	s18 =	sadd.s32 $0x100, s16  }
0x2c: {  	[tilespmem:s17], [sflag:$0x1] =	stream.indirect.gather [hbm4b:s3+s12], $0x1, s18, s12, $0xb8;
	[tilespmem:$0x9200] =	vst v63  }
0x2d: {  	s17 =	sadd.s32 $0x3580, s16;
	s18 =	sadd.s32 $0x180, s16  }
0x2e: {  	[tilespmem:s17], [sflag:$0x1] =	stream.indirect.gather [hbm4b:s3+s12], $0x1, s18, s12, $0xb8;
	[tilespmem:$0x9200] =	vst v63  }
0x2f: {  	s17 =	sadd.s32 $0x3600, s16;
	s18 =	sadd.s32 $0x200, s16  }
0x30: {  	[tilespmem:s17], [sflag:$0x1] =	stream.indirect.gather [hbm4b:s3+s12], $0x1, s18, s12, $0xb8;
	[tilespmem:$0x9200] =	vst v63  }
.Ltmp0:
0x31: {  	s17 =	sadd.s32 $0x3680, s16;
	s18 =	sadd.s32 $0x280, s16;
	(pc) =	sbr.rel @p0 .LBB2_2-.Ltmp0, $4  }
0x32: {  	[tilespmem:s17], [sflag:$0x1] =	stream.indirect.gather [hbm4b:s3+s12], $0x1, s18, s12, $0xb8;
	[tilespmem:$0x9200] =	vst v63  }
0x33: {  	s19 =	sadd.s32 $0x380, s16;
	s17 =	sadd.s32 $0x3700, s16;
	s18 =	sadd.s32 $0x300, s16  }
0x34: {  	[tilespmem:s17], [sflag:$0x1] =	stream.indirect.gather [hbm4b:s3+s12], $0x1, s18, s12, $0xb8;
	[tilespmem:$0x9200] =	vst v63  }
0x35: {  	s18 =	sadd.s32 $0x3780, s16;
	s16 =	smov.u32 s20;
	s17 =	smov.u32 s21  }
0x36: {  	[tilespmem:s18], [sflag:$0x1] =	stream.indirect.gather [hbm4b:s3+s12], $0x1, s19, s12, $0xb8;
	[tilespmem:$0x9200] =	vst v63  }
0x37: {  	s17 =	sadd.s32 $0x3400, s16  }
0x38: {  	[tilespmem:s17], [sflag:$0x1] =	stream.indirect.gather [hbm4b:s3+s12], $0x1, s16, s12, $0xb8;
	[tilespmem:$0x9200] =	vst v63  }
0x39: {  	s30 =	sadd.s32 $0x3480, s16;
	s31 =	sadd.s32 $0x80, s16  }
0x3a: {  	[tilespmem:s30], [sflag:$0x1] =	stream.indirect.gather [hbm4b:s3+s12], $0x1, s31, s12, $0xb8;
	[tilespmem:$0x9200] =	vst v63  }
0x3b: {  	s19 =	sadd.s32 $0x3500, s16;
	s20 =	sadd.s32 $0x100, s16  }
0x3c: {  	[tilespmem:s19], [sflag:$0x1] =	stream.indirect.gather [hbm4b:s3+s12], $0x1, s20, s12, $0xb8;
	[tilespmem:$0x9200] =	vst v63  }
0x3d: {  	s21 =	sadd.s32 $0x3580, s16;
	s22 =	sadd.s32 $0x180, s16  }
0x3e: {  	[tilespmem:s21], [sflag:$0x1] =	stream.indirect.gather [hbm4b:s3+s12], $0x1, s22, s12, $0xb8;
	[tilespmem:$0x9200] =	vst v63  }
0x3f: {  	s23 =	sadd.s32 $0x3600, s16;
	s24 =	sadd.s32 $0x200, s16  }
0x40: {  	[tilespmem:s23], [sflag:$0x1] =	stream.indirect.gather [hbm4b:s3+s12], $0x1, s24, s12, $0xb8;
	[tilespmem:$0x9200] =	vst v63  }
0x41: {  	s25 =	sadd.s32 $0x3680, s16;
	s26 =	sadd.s32 $0x280, s16  }
0x42: {  	[tilespmem:s25], [sflag:$0x1] =	stream.indirect.gather [hbm4b:s3+s12], $0x1, s26, s12, $0xb8;
	[tilespmem:$0x9200] =	vst v63  }
0x43: {  	s28 =	sadd.s32 $0x3700, s16;
	s29 =	sadd.s32 $0x300, s16  }
0x44: {  	[tilespmem:s28], [sflag:$0x1] =	stream.indirect.gather [hbm4b:s3+s12], $0x1, s29, s12, $0xb8;
	[tilespmem:$0x9200] =	vst v63  }
0x45: {  	s30 =	sadd.s32 $0x3780, s16;
	s31 =	sadd.s32 $0x380, s16  }
0x46: {  	[tilespmem:s30], [sflag:$0x1] =	stream.indirect.gather [hbm4b:s3+s12], $0x1, s31, s12, $0xb8;
	[tilespmem:$0x9200] =	vst v63  }
0x47: {  	v0 =	vld [tilespmem:$0x8E80]  }
0x48: {  	v1 =	vld [tilespmem:$0x8F00];
	_ =	swait.ge [sflag:s13], $0x80  }
0x49: {  	s16 =	simm.s32 $0x33;
	[sflag:s13] =	ssyncset.done $0x0  }
.LBB2_4:
0x4a: {  	p0 =	sne.s32 s16, $0x1;
	s16 =	sadd.s32 $0xFFFFFFFF, s16;
	[sflag:s13] =	ssyncadd.s32 $0xFFFFFF80  }
.Ltmp1:
0x4b: {  	(pc) =	sbr.rel @p0 .LBB2_4-.Ltmp1, $3  }
0x4c: {  	_ =	sdelay $0x1  }
0x4d: {  	_ =	swait.ge [sflag:s13], $0x80  }
0x4e: {  	[sflag:s13] =	ssyncset.done $0x0  }
0x4f: {  	s16 =	simm.s32 $0x0  }
0x50: {  	[sflag:s13] =	ssyncadd.s32 $0xFFFFFF80;
	s17 =	sand.u32 $0x70, s16;
	s18 =	sand.u32 $0xC00, s16  }
0x51: {  	v2 =	vld [tilespmem:$0x8800];
	s18 =	sor.u32 s17, s18  }
0x52: {  	v3 =	vld [tilespmem:s18+$0x6800]  }
0x53: {  	v5 =	vld [tilespmem:$0x8880]  }
0x54: {  	v4 =	vld [tilespmem:s18+$0x6880]  }
0x55: {  	v7 =	vld [tilespmem:$0x8900]  }
0x56: {  	v6 =	vld [tilespmem:s18+$0x6900]  }
0x57: {  	v0 =	vadd.f32 v1, v0;
	v1 =	vmul.f32 v2, v3;
	v2 =	vld [tilespmem:s18+$0x6980]  }
0x58: {  	v3 =	vld [tilespmem:$0x8980]  }
0x59: {  	v8 =	vld [tilespmem:$0x8A00];
	v4 =	vmul.f32 v5, v4;
	v1 =	vadd.f32 v1, v0  }
0x5a: {  	v44 =	vld [tilespmem:s18+$0x6A00]  }
0x5b: {  	v47 =	vld [tilespmem:$0x8A80];
	v45 =	vmul.f32 v7, v6;
	v1 =	vadd.f32 v4, v1  }
0x5c: {  	v46 =	vld [tilespmem:s18+$0x6A80]  }
0x5d: {  	v48 =	vld [tilespmem:$0x8B00];
	v2 =	vmul.f32 v3, v2;
	v1 =	vadd.f32 v45, v1  }
0x5e: {  	v3 =	vld [tilespmem:s18+$0x6B00]  }
0x5f: {  	v50 =	vld [tilespmem:$0x8B80];
	v1 =	vadd.f32 v2, v1;
	v2 =	vmul.f32 v8, v44  }
0x60: {  	v49 =	vld [tilespmem:s18+$0x6B80]  }
0x61: {  	v52 =	vld [tilespmem:$0x8C00];
	v1 =	vadd.f32 v2, v1;
	v2 =	vmul.f32 v47, v46  }
0x62: {  	v51 =	vld [tilespmem:s18+$0x7800]  }
0x63: {  	v53 =	vld [tilespmem:$0x8C80];
	v1 =	vadd.f32 v2, v1;
	v2 =	vmul.f32 v48, v3  }
0x64: {  	v3 =	vld [tilespmem:s18+$0x7880]  }
0x65: {  	v55 =	vld [tilespmem:$0x8D00];
	v1 =	vadd.f32 v2, v1;
	v2 =	vmul.f32 v50, v49  }
0x66: {  	v54 =	vld [tilespmem:s18+$0x7900]  }
0x67: {  	v57 =	vld [tilespmem:$0x8D80];
	v1 =	vadd.f32 v2, v1;
	v2 =	vmul.f32 v52, v51  }
0x68: {  	v56 =	vld [tilespmem:s18+$0x7980]  }
0x69: {  	v58 =	vld [tilespmem:$0x8E00];
	v1 =	vadd.f32 v2, v1;
	v2 =	vmul.f32 v53, v3  }
0x6a: {  	v3 =	vld [tilespmem:s18+$0x7A00]  }
0x6b: {  	s30 =	simm.s32 $0x0;
	v1 =	vadd.f32 v2, v1;
	v2 =	vmul.f32 v55, v54  }
0x6c: {  	s18 =	sand.u32 $0x180, s30  }
0x6d: {  	s17 =	sor.u32 s17, s18;
	v1 =	vadd.f32 v2, v1;
	v2 =	vmul.f32 v57, v56  }
0x6e: {  	v59 =	vld [tilespmem:s17+$0x3400]  }
0x6f: {  	v1 =	vadd.f32 v2, v1;
	v2 =	vmul.f32 v58, v3  }
0x70: {  	v3 =	vld [tilespmem:s17+$0x3600]  }
0x71: {  	v1 =	vadd.f32 v2, v1  }
0x72: {  	v2 =	vld [tilespmem:s17+$0x3800]  }
0x73: {  	v1 =	vadd.f32 v1, v59  }
0x74: {  	v60 =	vld [tilespmem:s17+$0x3A00]  }
0x75: {  	v1 =	vadd.f32 v1, v3  }
0x76: {  	v3 =	vld [tilespmem:s17+$0x3C00]  }
0x77: {  	v1 =	vadd.f32 v1, v2  }
0x78: {  	v2 =	vld [tilespmem:s17+$0x3E00]  }
0x79: {  	v1 =	vadd.f32 v1, v60  }
0x7a: {  	v61 =	vld [tilespmem:s17+$0x4000]  }
0x7b: {  	v1 =	vadd.f32 v1, v3  }
0x7c: {  	v3 =	vld [tilespmem:s17+$0x4200]  }
0x7d: {  	v1 =	vadd.f32 v1, v2  }
0x7e: {  	v2 =	vld [tilespmem:s17+$0x4400]  }
0x7f: {  	v1 =	vadd.f32 v1, v61  }
0x80: {  	v62 =	vld [tilespmem:s17+$0x4600]  }
0x81: {  	v1 =	vadd.f32 v1, v3  }
0x82: {  	v3 =	vld [tilespmem:s17+$0x4800]  }
0x83: {  	v1 =	vadd.f32 v1, v2  }
0x84: {  	v2 =	vld [tilespmem:s17+$0x4A00]  }
0x85: {  	v1 =	vadd.f32 v1, v62  }
0x86: {  	v63 =	vld [tilespmem:s17+$0x4C00]  }
0x87: {  	v1 =	vadd.f32 v1, v3;
	_ =	sdelay $0x1  }
0x88: {  	v1 =	vadd.f32 v1, v2;
	_ =	sdelay $0x1  }
0x89: {  	v1 =	vadd.f32 v1, v63  }
0x8a: {  	s31 =	simm.s32 $0x10;
	s21 =	simm.s32 $0x0;
	s17 =	simm.s32 $0x80  }
0x8b: {  	s19 =	sand.u32 $0x70, s31;
	s18 =	simm.s32 $0x20;
	s20 =	sand.u32 $0xC00, s17;
	[tilespmem:s21+$0x9000] =	vst v1  }
.LBB2_6:
0x8c: {  	p0 =	sne.s32 s18, $0x1F0;
	s20 =	sor.u32 s19, s20;
	v1 =	vld [tilespmem:$0x8800]  }
0x8d: {  	v2 =	vld [tilespmem:s20+$0x6800]  }
0x8e: {  	v3 =	vld [tilespmem:s20+$0x6880]  }
0x8f: {  	v4 =	vld [tilespmem:$0x8880]  }
0x90: {  	v5 =	vld [tilespmem:s20+$0x6900]  }
0x91: {  	v6 =	vld [tilespmem:$0x8900]  }
0x92: {  	v1 =	vmul.f32 v1, v2;
	v2 =	vld [tilespmem:s20+$0x6980]  }
0x93: {  	v7 =	vld [tilespmem:$0x8980]  }
0x94: {  	v1 =	vadd.f32 v1, v0;
	v3 =	vmul.f32 v4, v3;
	v4 =	vld [tilespmem:s20+$0x6A00]  }
0x95: {  	v8 =	vld [tilespmem:$0x8A00]  }
0x96: {  	v1 =	vadd.f32 v3, v1;
	v3 =	vmul.f32 v6, v5;
	v5 =	vld [tilespmem:s20+$0x6A80]  }
0x97: {  	v6 =	vld [tilespmem:$0x8A80]  }
0x98: {  	v1 =	vadd.f32 v3, v1;
	v2 =	vmul.f32 v7, v2;
	v3 =	vld [tilespmem:s20+$0x6B00]  }
0x99: {  	v7 =	vld [tilespmem:$0x8B00]  }
0x9a: {  	v1 =	vadd.f32 v2, v1;
	v2 =	vmul.f32 v8, v4;
	v4 =	vld [tilespmem:s20+$0x6B80]  }
0x9b: {  	v8 =	vld [tilespmem:$0x8B80]  }
0x9c: {  	v1 =	vadd.f32 v2, v1;
	v2 =	vmul.f32 v6, v5;
	v5 =	vld [tilespmem:s20+$0x7800]  }
0x9d: {  	v6 =	vld [tilespmem:$0x8C00]  }
0x9e: {  	v1 =	vadd.f32 v2, v1;
	v2 =	vmul.f32 v7, v3;
	v3 =	vld [tilespmem:s20+$0x7880]  }
0x9f: {  	v7 =	vld [tilespmem:$0x8C80]  }
0xa0: {  	v1 =	vadd.f32 v2, v1;
	v2 =	vmul.f32 v8, v4;
	v4 =	vld [tilespmem:s20+$0x7900]  }
0xa1: {  	v8 =	vld [tilespmem:$0x8D00]  }
0xa2: {  	v1 =	vadd.f32 v2, v1;
	v2 =	vmul.f32 v6, v5;
	v5 =	vld [tilespmem:s20+$0x7980]  }
0xa3: {  	v6 =	vld [tilespmem:$0x8D80]  }
0xa4: {  	v1 =	vadd.f32 v2, v1;
	v2 =	vmul.f32 v7, v3;
	v3 =	vld [tilespmem:s20+$0x7A00]  }
0xa5: {  	s16 =	sadd.s32 $0x40, s16;
	v7 =	vld [tilespmem:$0x8E00]  }
0xa6: {  	s20 =	sshrl.u32 s16, $0x2;
	v1 =	vadd.f32 v2, v1;
	v2 =	vmul.f32 v8, v4  }
0xa7: {  	s20 =	sand.u32 $0x180, s20  }
0xa8: {  	s19 =	sor.u32 s19, s20;
	v1 =	vadd.f32 v2, v1;
	v2 =	vmul.f32 v6, v5  }
0xa9: {  	v4 =	vld [tilespmem:s19+$0x3400]  }
0xaa: {  	v1 =	vadd.f32 v2, v1;
	v2 =	vmul.f32 v7, v3  }
0xab: {  	v3 =	vld [tilespmem:s19+$0x3600]  }
0xac: {  	v1 =	vadd.f32 v2, v1  }
0xad: {  	v2 =	vld [tilespmem:s19+$0x3800]  }
0xae: {  	v1 =	vadd.f32 v1, v4  }
0xaf: {  	v4 =	vld [tilespmem:s19+$0x3A00]  }
0xb0: {  	v1 =	vadd.f32 v1, v3  }
0xb1: {  	v3 =	vld [tilespmem:s19+$0x3C00]  }
0xb2: {  	v1 =	vadd.f32 v1, v2  }
0xb3: {  	v2 =	vld [tilespmem:s19+$0x3E00]  }
0xb4: {  	v1 =	vadd.f32 v1, v4  }
0xb5: {  	v4 =	vld [tilespmem:s19+$0x4000]  }
0xb6: {  	v1 =	vadd.f32 v1, v3  }
0xb7: {  	v3 =	vld [tilespmem:s19+$0x4200]  }
0xb8: {  	v1 =	vadd.f32 v1, v2  }
0xb9: {  	v2 =	vld [tilespmem:s19+$0x4400]  }
0xba: {  	v1 =	vadd.f32 v1, v4  }
0xbb: {  	v4 =	vld [tilespmem:s19+$0x4600]  }
0xbc: {  	v1 =	vadd.f32 v1, v3  }
0xbd: {  	v3 =	vld [tilespmem:s19+$0x4800]  }
0xbe: {  	v1 =	vadd.f32 v1, v2  }
0xbf: {  	v2 =	vld [tilespmem:s19+$0x4A00]  }
0xc0: {  	v1 =	vadd.f32 v1, v4  }
0xc1: {  	v4 =	vld [tilespmem:s19+$0x4C00]  }
0xc2: {  	v1 =	vadd.f32 v1, v3;
	_ =	sdelay $0x1  }
.Ltmp2:
0xc3: {  	v1 =	vadd.f32 v1, v2;
	(pc) =	sbr.rel @p0 .LBB2_6-.Ltmp2, $4  }
0xc4: {  	_ = 	snop  }
0xc5: {  	v1 =	vadd.f32 v1, v4  }
0xc6: {  	s17 =	sadd.s32 $0x80, s17;
	s21 =	sshra.s32 s16, $0x2  }
0xc7: {  	s20 =	sand.u32 $0xC00, s17;
	s19 =	sand.u32 $0x70, s18;
	s18 =	sadd.s32 $0x10, s18;
	[tilespmem:s21+$0x9000] =	vst v1  }
0xc8: {  	s17 =	sor.u32 s19, s20;
	v1 =	vld [tilespmem:$0x8800]  }
0xc9: {  	v2 =	vld [tilespmem:s17+$0x6800]  }
0xca: {  	v4 =	vld [tilespmem:$0x8880]  }
0xcb: {  	v3 =	vld [tilespmem:s17+$0x6880]  }
0xcc: {  	v6 =	vld [tilespmem:$0x8900]  }
0xcd: {  	v5 =	vld [tilespmem:s17+$0x6900]  }
0xce: {  	v7 =	vld [tilespmem:$0x8980];
	v1 =	vmul.f32 v1, v2  }
0xcf: {  	v20 =	vld [tilespmem:s17+$0x6980]  }
0xd0: {  	v23 =	vld [tilespmem:$0x8A00];
	v21 =	vmul.f32 v4, v3;
	v0 =	vadd.f32 v1, v0  }
0xd1: {  	v22 =	vld [tilespmem:s17+$0x6A00]  }
0xd2: {  	v26 =	vld [tilespmem:$0x8A80];
	v24 =	vmul.f32 v6, v5;
	v0 =	vadd.f32 v21, v0  }
0xd3: {  	v25 =	vld [tilespmem:s17+$0x6A80]  }
0xd4: {  	v29 =	vld [tilespmem:$0x8B00];
	v27 =	vmul.f32 v7, v20;
	v0 =	vadd.f32 v24, v0  }
0xd5: {  	v28 =	vld [tilespmem:s17+$0x6B00]  }
0xd6: {  	v32 =	vld [tilespmem:$0x8B80];
	v30 =	vmul.f32 v23, v22;
	v0 =	vadd.f32 v27, v0  }
0xd7: {  	v31 =	vld [tilespmem:s17+$0x6B80]  }
0xd8: {  	v35 =	vld [tilespmem:$0x8C00];
	v33 =	vmul.f32 v26, v25;
	v0 =	vadd.f32 v30, v0  }
0xd9: {  	v34 =	vld [tilespmem:s17+$0x7800]  }
0xda: {  	v38 =	vld [tilespmem:$0x8C80];
	v36 =	vmul.f32 v29, v28;
	v0 =	vadd.f32 v33, v0  }
0xdb: {  	v37 =	vld [tilespmem:s17+$0x7880]  }
0xdc: {  	v41 =	vld [tilespmem:$0x8D00];
	v39 =	vmul.f32 v32, v31;
	v0 =	vadd.f32 v36, v0  }
0xdd: {  	v40 =	vld [tilespmem:s17+$0x7900]  }
0xde: {  	v44 =	vld [tilespmem:$0x8D80];
	v42 =	vmul.f32 v35, v34;
	v0 =	vadd.f32 v39, v0  }
0xdf: {  	v43 =	vld [tilespmem:s17+$0x7980]  }
0xe0: {  	v47 =	vld [tilespmem:$0x8E00];
	v45 =	vmul.f32 v38, v37;
	v0 =	vadd.f32 v42, v0  }
0xe1: {  	s16 =	sadd.s32 $0x40, s16;
	v46 =	vld [tilespmem:s17+$0x7A00]  }
0xe2: {  	s31 =	sshrl.u32 s16, $0x2;
	v48 =	vmul.f32 v41, v40;
	v0 =	vadd.f32 v45, v0  }
0xe3: {  	s17 =	sand.u32 $0x180, s31  }
0xe4: {  	s17 =	sor.u32 s19, s17;
	v49 =	vmul.f32 v44, v43;
	v0 =	vadd.f32 v48, v0  }
0xe5: {  	v50 =	vld [tilespmem:s17+$0x3400]  }
0xe6: {  	v51 =	vmul.f32 v47, v46;
	v0 =	vadd.f32 v49, v0  }
0xe7: {  	v52 =	vld [tilespmem:s17+$0x3600]  }
0xe8: {  	v0 =	vadd.f32 v51, v0  }
0xe9: {  	v53 =	vld [tilespmem:s17+$0x3800]  }
0xea: {  	v0 =	vadd.f32 v0, v50  }
0xeb: {  	v54 =	vld [tilespmem:s17+$0x3A00]  }
0xec: {  	v0 =	vadd.f32 v0, v52  }
0xed: {  	v55 =	vld [tilespmem:s17+$0x3C00]  }
0xee: {  	v0 =	vadd.f32 v0, v53  }
0xef: {  	v56 =	vld [tilespmem:s17+$0x3E00]  }
0xf0: {  	v0 =	vadd.f32 v0, v54  }
0xf1: {  	v57 =	vld [tilespmem:s17+$0x4000]  }
0xf2: {  	v0 =	vadd.f32 v0, v55  }
0xf3: {  	v58 =	vld [tilespmem:s17+$0x4200]  }
0xf4: {  	v0 =	vadd.f32 v0, v56  }
0xf5: {  	v59 =	vld [tilespmem:s17+$0x4400]  }
0xf6: {  	v0 =	vadd.f32 v0, v57  }
0xf7: {  	v60 =	vld [tilespmem:s17+$0x4600]  }
0xf8: {  	v0 =	vadd.f32 v0, v58  }
0xf9: {  	v61 =	vld [tilespmem:s17+$0x4800]  }
0xfa: {  	v0 =	vadd.f32 v0, v59  }
0xfb: {  	v62 =	vld [tilespmem:s17+$0x4A00]  }
0xfc: {  	v0 =	vadd.f32 v0, v60  }
0xfd: {  	v63 =	vld [tilespmem:s17+$0x4C00]  }
0xfe: {  	v0 =	vadd.f32 v0, v61;
	_ =	sdelay $0x1  }
0xff: {  	v0 =	vadd.f32 v0, v62;
	_ =	sdelay $0x1  }
0x100: {  	v0 =	vadd.f32 v0, v63  }
0x101: {  	s16 =	sshra.s32 s16, $0x2  }
0x102: {  	[tilespmem:s16+$0x9000] =	vst v0;
	s16 =	simm.s32 $0x34  }
.LBB2_8:
0x103: {  	p0 =	sne.s32 s16, $0x1  }
.Ltmp3:
0x104: {  	_ = 	snop;
	(pc) =	sbr.rel @p0 .LBB2_8-.Ltmp3, $4  }
0x105: {  	_ = 	snop  }
0x106: {  	_ =	swait.ge [sflag:s13], $0x80  }
0x107: {  	[sflag:s13] =	ssyncset.done $0x0  }
0x108: {  	s16 =	sadd.s32 $0xFFFFFFFF, s16;
	[sflag:s13] =	ssyncadd.s32 $0xFFFFFF80  }
0x109: {  	s16 =	simm.s32 $0x0  }
0x10a: {  	s17 =	sand.u32 $0x600, s16  }
0x10b: {  	s16 =	sand.u32 $0x70, s16;
	s17 =	sshrl.u32 s17, $0x2  }
0x10c: {  	s17 =	sor.u32 s16, s17  }
0x10d: {  	s16 =	simm.s32 $0x0;
	v0 =	vld [tilespmem:s17+$0x4E00]  }
0x10e: {  	v1 =	vld [tilespmem:s16+$0x9000];
	_ =	sdelay $0x1  }
0x10f: {  	v2 =	vld [tilespmem:s17+$0x5000];
	_ =	sdelay $0x1  }
0x110: {  	v3 =	vld [tilespmem:s17+$0x5200]  }
0x111: {  	v0 =	vadd.f32 v0, v1  }
0x112: {  	v1 =	vld [tilespmem:s17+$0x5400]  }
0x113: {  	v0 =	vadd.f32 v2, v0  }
0x114: {  	v2 =	vld [tilespmem:s17+$0x5600]  }
0x115: {  	v0 =	vadd.f32 v3, v0  }
0x116: {  	v3 =	vld [tilespmem:s17+$0x5800]  }
0x117: {  	v0 =	vadd.f32 v1, v0  }
0x118: {  	v1 =	vld [tilespmem:s17+$0x5A00]  }
0x119: {  	v0 =	vadd.f32 v2, v0  }
0x11a: {  	v2 =	vld [tilespmem:s17+$0x5C00]  }
0x11b: {  	v0 =	vadd.f32 v3, v0  }
0x11c: {  	v3 =	vld [tilespmem:s17+$0x5E00]  }
0x11d: {  	v0 =	vadd.f32 v1, v0  }
0x11e: {  	v1 =	vld [tilespmem:s17+$0x6000]  }
0x11f: {  	v0 =	vadd.f32 v2, v0  }
0x120: {  	v2 =	vld [tilespmem:s17+$0x6200]  }
0x121: {  	v0 =	vadd.f32 v3, v0  }
0x122: {  	v3 =	vld [tilespmem:s17+$0x6400]  }
0x123: {  	v0 =	vadd.f32 v1, v0  }
0x124: {  	v1 =	vld [tilespmem:s17+$0x6600]  }
0x125: {  	v0 =	vadd.f32 v2, v0;
	_ =	sdelay $0x1  }
0x126: {  	v0 =	vadd.f32 v3, v0  }
0x127: {  	s17 =	simm.s32 $0x40  }
0x128: {  	s18 =	simm.s32 $0x10;
	s20 =	sand.u32 $0x600, s17;
	v0 =	vadd.f32 v1, v0  }
0x129: {  	s19 =	sand.u32 $0x70, s18;
	s18 =	simm.s32 $0x20;
	s20 =	sshrl.u32 s20, $0x2  }
.LBB2_10:
0x12a: {  	p0 =	sne.s32 s18, $0x1F0;
	s19 =	sor.u32 s19, s20;
	[tilespmem:s16+$0x9000] =	vst v0  }
0x12b: {  	s16 =	sshra.s32 s17, $0x2;
	v0 =	vld [tilespmem:s19+$0x4E00]  }
0x12c: {  	v1 =	vld [tilespmem:s16+$0x9000];
	_ =	sdelay $0x1  }
0x12d: {  	v2 =	vld [tilespmem:s19+$0x5000];
	_ =	sdelay $0x1  }
0x12e: {  	v3 =	vld [tilespmem:s19+$0x5200]  }
0x12f: {  	v0 =	vadd.f32 v0, v1  }
0x130: {  	v1 =	vld [tilespmem:s19+$0x5400]  }
0x131: {  	v0 =	vadd.f32 v2, v0  }
0x132: {  	v2 =	vld [tilespmem:s19+$0x5600]  }
0x133: {  	v0 =	vadd.f32 v3, v0  }
0x134: {  	v3 =	vld [tilespmem:s19+$0x5800]  }
0x135: {  	v0 =	vadd.f32 v1, v0  }
0x136: {  	v1 =	vld [tilespmem:s19+$0x5A00]  }
0x137: {  	v0 =	vadd.f32 v2, v0  }
0x138: {  	v2 =	vld [tilespmem:s19+$0x5C00]  }
0x139: {  	v0 =	vadd.f32 v3, v0  }
0x13a: {  	v3 =	vld [tilespmem:s19+$0x5E00]  }
0x13b: {  	v0 =	vadd.f32 v1, v0  }
0x13c: {  	v1 =	vld [tilespmem:s19+$0x6000]  }
0x13d: {  	v0 =	vadd.f32 v2, v0  }
0x13e: {  	v2 =	vld [tilespmem:s19+$0x6200]  }
0x13f: {  	v0 =	vadd.f32 v3, v0  }
0x140: {  	v3 =	vld [tilespmem:s19+$0x6400]  }
0x141: {  	v0 =	vadd.f32 v1, v0  }
0x142: {  	v1 =	vld [tilespmem:s19+$0x6600]  }
0x143: {  	v0 =	vadd.f32 v2, v0  }
.Ltmp4:
0x144: {  	(pc) =	sbr.rel @p0 .LBB2_10-.Ltmp4, $4  }
0x145: {  	v0 =	vadd.f32 v3, v0  }
0x146: {  	s17 =	sadd.s32 $0x40, s17  }
0x147: {  	s20 =	sand.u32 $0x600, s17;
	v0 =	vadd.f32 v1, v0  }
0x148: {  	s20 =	sshrl.u32 s20, $0x2;
	s19 =	sand.u32 $0x70, s18;
	s18 =	sadd.s32 $0x10, s18  }
0x149: {  	s18 =	sor.u32 s19, s20;
	[tilespmem:s16+$0x9000] =	vst v0  }
0x14a: {  	s31 =	sshra.s32 s17, $0x2;
	v0 =	vld [tilespmem:s18+$0x4E00]  }
0x14b: {  	v1 =	vld [tilespmem:s31+$0x9000];
	_ =	sdelay $0x1  }
0x14c: {  	v2 =	vld [tilespmem:s18+$0x5000];
	_ =	sdelay $0x1  }
0x14d: {  	v3 =	vld [tilespmem:s18+$0x5200]  }
0x14e: {  	v0 =	vadd.f32 v0, v1  }
0x14f: {  	v54 =	vld [tilespmem:s18+$0x5400]  }
0x150: {  	v0 =	vadd.f32 v2, v0  }
0x151: {  	v55 =	vld [tilespmem:s18+$0x5600]  }
0x152: {  	v0 =	vadd.f32 v3, v0  }
0x153: {  	v56 =	vld [tilespmem:s18+$0x5800]  }
0x154: {  	v0 =	vadd.f32 v54, v0  }
0x155: {  	v57 =	vld [tilespmem:s18+$0x5A00]  }
0x156: {  	v0 =	vadd.f32 v55, v0  }
0x157: {  	v58 =	vld [tilespmem:s18+$0x5C00]  }
0x158: {  	v0 =	vadd.f32 v56, v0  }
0x159: {  	v59 =	vld [tilespmem:s18+$0x5E00]  }
0x15a: {  	v0 =	vadd.f32 v57, v0  }
0x15b: {  	v60 =	vld [tilespmem:s18+$0x6000]  }
0x15c: {  	v0 =	vadd.f32 v58, v0  }
0x15d: {  	v61 =	vld [tilespmem:s18+$0x6200]  }
0x15e: {  	v0 =	vadd.f32 v59, v0  }
0x15f: {  	v62 =	vld [tilespmem:s18+$0x6400]  }
0x160: {  	v0 =	vadd.f32 v60, v0  }
0x161: {  	v63 =	vld [tilespmem:s18+$0x6600]  }
0x162: {  	v0 =	vadd.f32 v61, v0;
	_ =	sdelay $0x1  }
0x163: {  	v0 =	vadd.f32 v62, v0;
	_ =	sdelay $0x1  }
0x164: {  	s15 =	sadd.s32 $0x1, s15;
	v0 =	vadd.f32 v63, v0  }
0x165: {  	p0 =	sne.s32 s15, s8  }
.Ltmp5:
0x166: {  	[tilespmem:s31+$0x9000] =	vst v0;
	(pc) =	sbr.rel @p0 .LBB2_1-.Ltmp5, $4  }
0x167: {  	[hbm4b:s7+s2] =	stream.linear.scatter [tilespmem:s14], [sflag:$0x2], $0x200, $0x38;
	[tilespmem:$0x9200] =	vst v63  }
0x168: {  	_ =	swait.ge [sflag:s9], $0x200  }
0x169: {  	[sflag:s9] =	ssyncset.done $0x0  }
0x16a: {  	[sflag:s9] =	ssyncadd.s32 $0xFFFFFE00  }
0x16b: {  	_ =	sfence.sel $0x180000  }
0x16c: {  	[bflag:$0x0] =	sbarrier.arrive $0xFFFF  }
0x16d: {  	p0 =	sne.s32 s0, $0x0;
	_ =	strace $0x90000047  }
0x16e: {  	s0 =	sadd.s32 @!p0 $0x100000, s1;
	[bflag:$0x2] =	sbarrier.arrive $0xFFFF  }
0x16f: {  	[sflag:s0] =	ssyncadd.tile.s32 @!p0 $0x1;
	_ =	shalt  }
.Lfunc_end2:
_tile_overlayer_lowered:
.L_overlay_start_2:
0x170: {  	(tag) =	ssettag $0x2  }
0x171: {  	s0 =	rddreg [dreg:$0x0];
	s2 =	stileid.u32  }
0x172: {  	s1 =	rddreg [dreg:$0x1];
	p0 =	sne.s32 s2, $0x0  }
0x173: {  	s3 =	rddreg [dreg:$0x2];
	[bflag:$0x3] =	sbarrier.arrive $0xFFFF;
	s2 =	simm.s32 @!p0 $0x1C02  }
0x174: {  	[timem:s3], [sflag:s2] =	dma.local @!p0 [hbm:s0], s1  }
0x175: {  	s0 =	simm.s32 @!p0 $0x2  }
0x176: {  	_ =	swait.ge @!p0 [sflag:s0], s1  }
0x177: {  	s1 =	ssub.s32 @!p0 $0x0, s1;
	[sflag:s0] =	ssyncset.done @!p0 $0x0  }
0x178: {  	[sflag:s0] =	ssyncadd.s32 @!p0 s1  }
0x179: {  	[bflag:$0x3] =	sbarrier.arrive $0xFFFF  }
0x17a: {  	_ =	shalt  }

</sc_bundles>
